<compile_context>
chip_gen: v7x
topology: tpu7x:2x2x1
jax: 0.10.2.dev20260603
libtpu: 0.0.44.dev20260713+nightly
codegen_flags: <defaults>
</compile_context>

<pallas_src>
import functools
import math

import jax
import jax.numpy as jnp
from jax import lax
from jax.experimental import pallas as pl
from jax.experimental.pallas import tpu as pltpu
from jax.experimental.pallas import tpu_sc as plsc

N = 10000
E = 320000
D = 128
A = 10
R = 8
H = 64
AVG_NUM_NEIGHBORS = 32.0

NC = 2
NS = 16
NW = NC * NS
EPW = E // NW
CHUNK = 80
NCHUNK = EPW // CHUNK
NP = 10240
ROWS_PT = NP // NS
ROWBLK = 128

INV_SQRT_R = 1.0 / math.sqrt(R)
INV_SQRT_H = 1.0 / math.sqrt(H)
INV_SQRT_D = 1.0 / math.sqrt(D)
INV_SQRT_DA = 1.0 / math.sqrt(D * A)


def _edge_mlp_body(ef_ref, ea_ref, w1_ref, w2_ref, w3_ref, w4_ref, out_ref):
    h = jax.nn.silu(
        jnp.dot(ef_ref[...], w1_ref[...], preferred_element_type=jnp.float32)
        * INV_SQRT_R)
    h = jax.nn.silu(
        jnp.dot(h, w2_ref[...], preferred_element_type=jnp.float32)
        * INV_SQRT_H)
    h = jax.nn.silu(
        jnp.dot(h, w3_ref[...], preferred_element_type=jnp.float32)
        * INV_SQRT_H)
    tpw = (jnp.dot(h, w4_ref[...], preferred_element_type=jnp.float32)
           * INV_SQRT_H)
    out_ref[...] = tpw * ea_ref[...]


def _edge_mlp(edge_feats, edge_attrs, W1, W2, W3, W4):
    EB = 2560
    grid = (E // EB,)
    return pl.pallas_call(
        _edge_mlp_body,
        grid=grid,
        in_specs=[
            pl.BlockSpec((EB, R), lambda i: (i, 0)),
            pl.BlockSpec((EB, 1), lambda i: (i, 0)),
            pl.BlockSpec((R, H), lambda i: (0, 0)),
            pl.BlockSpec((H, H), lambda i: (0, 0)),
            pl.BlockSpec((H, H), lambda i: (0, 0)),
            pl.BlockSpec((H, D), lambda i: (0, 0)),
        ],
        out_specs=pl.BlockSpec((EB, D), lambda i: (i, 0)),
        out_shape=jax.ShapeDtypeStruct((E, D), jnp.float32),
    )(edge_feats, edge_attrs, W1, W2, W3, W4)


def _up_body(nf_ref, w_ref, out_ref):
    out_ref[...] = (jnp.dot(nf_ref[...], w_ref[...],
                            preferred_element_type=jnp.float32) * INV_SQRT_D)


def _linear_up(node_feats, W_up):
    return pl.pallas_call(
        _up_body,
        out_shape=jax.ShapeDtypeStruct((N, D), jnp.float32),
    )(node_feats, W_up)


def _sc_edge_body(x_hbm, tpw_hbm, snd_hbm, rcv_hbm, out_hbm,
                  idx_v, ridx_v, tpw_v, xrows_v, rowbuf_v, acc_sh, sem):
    c = lax.axis_index("c")
    s = lax.axis_index("s")
    wid = s * NC + c

    zero16 = jnp.zeros((16,), jnp.float32)

    def zero_row(r, _):
        for j in range(D // 16):
            rowbuf_v[r, pl.ds(j * 16, 16)] = zero16
        return 0

    lax.fori_loop(0, ROWBLK, zero_row, 0)

    def zero_acc(k, _):
        r0 = s * ROWS_PT + k * ROWBLK
        pltpu.sync_copy(rowbuf_v, acc_sh.at[pl.ds(r0, ROWBLK)])
        return 0

    lax.fori_loop(0, ROWS_PT // ROWBLK, zero_acc, 0)
    plsc.subcore_barrier()

    def chunk(i, _):
        e0 = wid * EPW + i * CHUNK
        pltpu.sync_copy(snd_hbm.at[pl.ds(e0, CHUNK)], idx_v)
        pltpu.async_copy(x_hbm.at[idx_v], xrows_v, sem).wait()
        pltpu.sync_copy(tpw_hbm.at[pl.ds(e0, CHUNK)], tpw_v)

        def mul_row(r, _):
            for j in range(D // 16):
                sl = pl.ds(j * 16, 16)
                xrows_v[r, sl] = xrows_v[r, sl] * tpw_v[r, sl]
            return 0

        lax.fori_loop(0, CHUNK, mul_row, 0)

        pltpu.sync_copy(rcv_hbm.at[pl.ds(e0, CHUNK)], ridx_v)
        pltpu.sync_copy(xrows_v, acc_sh.at[ridx_v], add=True)
        return 0

    lax.fori_loop(0, NCHUNK, chunk, 0)
    plsc.subcore_barrier()

    def writeout(k, _):
        r0 = s * ROWS_PT + k * ROWBLK
        pltpu.sync_copy(acc_sh.at[pl.ds(r0, ROWBLK)], rowbuf_v)
        pltpu.sync_copy(rowbuf_v, out_hbm.at[pl.ds(c * NP + r0, ROWBLK)])
        return 0

    lax.fori_loop(0, ROWS_PT // ROWBLK, writeout, 0)


def _sc_edge(x, tpw, snd, rcv):
    mesh = plsc.VectorSubcoreMesh(core_axis_name="c", subcore_axis_name="s")
    fn = functools.partial(
        pl.kernel,
        mesh=mesh,
        out_type=jax.ShapeDtypeStruct((NC * NP, D), jnp.float32),
        scratch_types=[
            pltpu.VMEM((CHUNK,), jnp.int32),
            pltpu.VMEM((CHUNK,), jnp.int32),
            pltpu.VMEM((CHUNK, D), jnp.float32),
            pltpu.VMEM((CHUNK, D), jnp.float32),
            pltpu.VMEM((ROWBLK, D), jnp.float32),
            pltpu.VMEM_SHARED((NP, D), jnp.float32),
            pltpu.SemaphoreType.DMA,
        ],
    )(_sc_edge_body)
    return fn(x, tpw, snd, rcv)


def _post_body(p_ref, na_ref, wlin_ref, wsk_ref, out_ref):
    msg = p_ref[0] + p_ref[1]
    msg = (jnp.dot(msg, wlin_ref[...], preferred_element_type=jnp.float32)
           * (INV_SQRT_D / AVG_NUM_NEIGHBORS))
    acc = jnp.zeros_like(out_ref)
    for v in range(A):
        acc += na_ref[:, v:v + 1] * jnp.dot(
            msg, wsk_ref[v], preferred_element_type=jnp.float32)
    out_ref[...] = acc * INV_SQRT_DA


def _post(parts, node_attrs, W_lin, W_skip_t):
    NB = 1000
    grid = (N // NB,)
    return pl.pallas_call(
        _post_body,
        grid=grid,
        in_specs=[
            pl.BlockSpec((NC, NB, D), lambda i: (0, i, 0)),
            pl.BlockSpec((NB, A), lambda i: (i, 0)),
            pl.BlockSpec((D, D), lambda i: (0, 0)),
            pl.BlockSpec((A, D, D), lambda i: (0, 0, 0)),
        ],
        out_specs=pl.BlockSpec((NB, D), lambda i: (i, 0)),
        out_shape=jax.ShapeDtypeStruct((N, D), jnp.float32),
    )(parts, node_attrs, W_lin, W_skip_t)


def kernel(node_attrs, node_feats, edge_attrs, edge_feats, edge_index,
           W_up, W1, W2, W3, W4, W_lin, W_skip):
    snd = edge_index[0].astype(jnp.int32)
    rcv = edge_index[1].astype(jnp.int32)
    tpw = _edge_mlp(edge_feats, edge_attrs, W1, W2, W3, W4)
    x = _linear_up(node_feats, W_up)
    parts = _sc_edge(x, tpw, snd, rcv).reshape(NC, NP, D)[:, :N]
    return _post(parts, node_attrs, W_lin, W_skip.transpose(1, 0, 2))

# --- scband reference (transcript-rebuilt; emitter-appended) ---
"""Pipeline reference for scband-agnostic-nonlinear-interaction-block-343597384378 (READ-ONLY COPY).

The authoritative reference and input builder live on the scoring server;
editing this copy changes nothing except your own understanding.
"""

import jax, jax.numpy as jnp
import numpy as np

N = 10000
E = 320000
D = 128   # node feature multiplicity (128x0e)
A = 10    # node attr multiplicity (10x0e)
R = 8     # edge feat dim (8x0e radial basis)
H = 64    # MLP hidden
AVG_NUM_NEIGHBORS = 32.0


def setup_inputs(seed: int = 0) -> dict:
    key = jax.random.key(seed)
    ks = jax.random.split(key, 12)
    node_attrs = jax.random.normal(ks[0], (N, A), dtype=jnp.float32)
    node_feats = jax.random.normal(ks[1], (N, D), dtype=jnp.float32)
    edge_attrs = jax.random.normal(ks[2], (E, 1), dtype=jnp.float32)
    edge_feats = jax.random.normal(ks[3], (E, R), dtype=jnp.float32)
    edge_index = jax.random.randint(ks[4], (2, E), 0, N)
    # Learned parameters
    W_up = jax.random.normal(ks[5], (D, D), dtype=jnp.float32)          # linear_up (o3.Linear 128x0e->128x0e)
    W1 = jax.random.normal(ks[6], (R, H), dtype=jnp.float32)            # conv_tp_weights MLP
    W2 = jax.random.normal(ks[7], (H, H), dtype=jnp.float32)
    W3 = jax.random.normal(ks[8], (H, H), dtype=jnp.float32)
    W4 = jax.random.normal(ks[9], (H, D), dtype=jnp.float32)            # -> conv_tp.weight_numel = 128
    W_lin = jax.random.normal(ks[10], (D, D), dtype=jnp.float32)        # self.linear (o3.Linear irreps_mid->irreps_out)
    W_skip = jax.random.normal(ks[11], (D, A, D), dtype=jnp.float32)    # skip_tp FullyConnectedTensorProduct
    return {
        "node_attrs": node_attrs,
        "node_feats": node_feats,
        "edge_attrs": edge_attrs,
        "edge_feats": edge_feats,
        "edge_index": edge_index,
        "W_up": W_up,
        "W1": W1,
        "W2": W2,
        "W3": W3,
        "W4": W4,
        "W_lin": W_lin,
        "W_skip": W_skip,
    }


def reference(node_attrs, node_feats, edge_attrs, edge_feats, edge_index,
              W_up, W1, W2, W3, W4, W_lin, W_skip):
    sender = edge_index[0]
    receiver = edge_index[1]
    num_nodes = node_feats.shape[0]
    # conv_tp_weights = FullyConnectedNet([8, 64, 64, 64, 128], SiLU) with fan-in normalization
    h = jax.nn.silu(edge_feats @ W1 / jnp.sqrt(R))
    h = jax.nn.silu(h @ W2 / jnp.sqrt(H))
    h = jax.nn.silu(h @ W3 / jnp.sqrt(H))
    tp_weights = h @ W4 / jnp.sqrt(H)  # [E, conv_tp.weight_numel=128]
    # linear_up (o3.Linear on scalar irreps, fan-in normalized, no bias)
    x = node_feats @ W_up / jnp.sqrt(D)
    # conv_tp: 0e x 0e -> 0e 'uvu' paths, per-edge weights (shared_weights=False)
    mji = x[sender] * edge_attrs * tp_weights  # [E, 128]
    # scatter_sum over receiver
    message = jax.ops.segment_sum(mji, receiver, num_segments=num_nodes)  # [N, 128]
    # self.linear then divide by avg_num_neighbors
    message = (message @ W_lin / jnp.sqrt(D)) / AVG_NUM_NEIGHBORS
    # skip_tp: FullyConnectedTensorProduct(128x0e, 10x0e -> 128x0e), fan-in normalized
    out = jnp.einsum('nu,nv,uvk->nk', message, node_attrs, W_skip) / jnp.sqrt(D * A)
    return out

if __name__ == "__main__":
    import jax
    _d = setup_inputs()
    print(jax.jit(kernel)(*tuple(_d.values())))

</pallas_src>

<mosaic_0001>
#map = affine_map<(d0, d1) -> (0, 0)>
#map1 = affine_map<(d0, d1) -> (0)>
module attributes {stable_mosaic.version = 14 : i64} {
  func.func @_sc_edge_body(%arg0: i32, %arg1: i32, %arg2: memref<10000x128xf32, #tpu.memory_space<hbm>>, %arg3: memref<320000x128xf32, #tpu.memory_space<hbm>>, %arg4: memref<320000xi32, #tpu.memory_space<hbm>>, %arg5: memref<320000xi32, #tpu.memory_space<hbm>>, %arg6: memref<20480x128xf32, #tpu.memory_space<hbm>>, %arg7: memref<80xi32, #tpu.memory_space<vmem>>, %arg8: memref<80xi32, #tpu.memory_space<vmem>>, %arg9: memref<80x128xf32, #tpu.memory_space<vmem>>, %arg10: memref<80x128xf32, #tpu.memory_space<vmem>>, %arg11: memref<128x128xf32, #tpu.memory_space<vmem>>, %arg12: memref<10240x128xf32, #tpu.memory_space<vmem_shared>>, %arg13: memref<!tpu.dma_semaphore, #tpu.memory_space<semaphore_mem>>) attributes {dimension_semantics = [#tpu.dimension_semantics<core_parallel>, #tpu.dimension_semantics<subcore_parallel>], iteration_bounds = array<i64: 2, 16>, scalar_prefetch = 0 : i64, scratch_operands = 7 : i64, tpu.core_type = #tpu.core_type<sc_vector_subcore>, window_params = [{transform_indices = #map}, {transform_indices = #map}, {transform_indices = #map1}, {transform_indices = #map1}, {transform_indices = #map}]} {
    %mul3A = arith.constant 2 : i32
    %mul3A_0 = arith.muli %arg1, %mul3A : i32
    %add3A = arith.addi %mul3A_0, %arg0 : i32
    %broadcast_in_dim3A = arith.constant 0.000000e+00 : f32
    %broadcast_in_dim3A_1 = vector.broadcast %broadcast_in_dim3A : f32 to vector<16xf32>
    %scan3A = arith.constant 0 : i32
    %scan3A_2 = arith.constant 0 : i32
    %scan3A_3 = arith.constant 128 : i32
    %scan3A_4 = arith.addi %scan3A_2, %scan3A_3 : i32
    %scan3A_5 = arith.constant 1 : i32
    %scan3A_6 = scf.for %scan3A_30 = %scan3A_2 to %scan3A_4 step %scan3A_5 iter_args(%scan3A_31 = %scan3A) -> (i32)  : i32 {
      %swap3A = arith.index_cast %scan3A_30 : i32 to index
      %swap3A_32 = arith.constant 0 : index
      %swap3A_33 = tpu.vector_load %arg11[%swap3A, %swap3A_32] {strides = array<i32>} : memref<128x128xf32, #tpu.memory_space<vmem>>, vector<1x16xf32>,
      %swap3A_34 = vector.shape_cast %swap3A_33 : vector<1x16xf32> to vector<16xf32>
      %swap3A_35 = vector.shape_cast %broadcast_in_dim3A_1 : vector<16xf32> to vector<1x16xf32>
      tpu.vector_store %arg11[%swap3A, %swap3A_32], %swap3A_35 {strides = array<i32>} : memref<128x128xf32, #tpu.memory_space<vmem>>, vector<1x16xf32>,
      %swap3A_36 = arith.index_cast %scan3A_30 : i32 to index
      %swap3A_37 = arith.constant 16 : index
      %swap3A_38 = tpu.vector_load %arg11[%swap3A_36, %swap3A_37] {strides = array<i32>} : memref<128x128xf32, #tpu.memory_space<vmem>>, vector<1x16xf32>,
      %swap3A_39 = vector.shape_cast %swap3A_38 : vector<1x16xf32> to vector<16xf32>
      %swap3A_40 = vector.shape_cast %broadcast_in_dim3A_1 : vector<16xf32> to vector<1x16xf32>
      tpu.vector_store %arg11[%swap3A_36, %swap3A_37], %swap3A_40 {strides = array<i32>} : memref<128x128xf32, #tpu.memory_space<vmem>>, vector<1x16xf32>,
      %swap3A_41 = arith.index_cast %scan3A_30 : i32 to index
      %swap3A_42 = arith.constant 32 : index
      %swap3A_43 = tpu.vector_load %arg11[%swap3A_41, %swap3A_42] {strides = array<i32>} : memref<128x128xf32, #tpu.memory_space<vmem>>, vector<1x16xf32>,
      %swap3A_44 = vector.shape_cast %swap3A_43 : vector<1x16xf32> to vector<16xf32>
      %swap3A_45 = vector.shape_cast %broadcast_in_dim3A_1 : vector<16xf32> to vector<1x16xf32>
      tpu.vector_store %arg11[%swap3A_41, %swap3A_42], %swap3A_45 {strides = array<i32>} : memref<128x128xf32, #tpu.memory_space<vmem>>, vector<1x16xf32>,
      %swap3A_46 = arith.index_cast %scan3A_30 : i32 to index
      %swap3A_47 = arith.constant 48 : index
      %swap3A_48 = tpu.vector_load %arg11[%swap3A_46, %swap3A_47] {strides = array<i32>} : memref<128x128xf32, #tpu.memory_space<vmem>>, vector<1x16xf32>,
      %swap3A_49 = vector.shape_cast %swap3A_48 : vector<1x16xf32> to vector<16xf32>
      %swap3A_50 = vector.shape_cast %broadcast_in_dim3A_1 : vector<16xf32> to vector<1x16xf32>
      tpu.vector_store %arg11[%swap3A_46, %swap3A_47], %swap3A_50 {strides = array<i32>} : memref<128x128xf32, #tpu.memory_space<vmem>>, vector<1x16xf32>,
      %swap3A_51 = arith.index_cast %scan3A_30 : i32 to index
      %swap3A_52 = arith.constant 64 : index
      %swap3A_53 = tpu.vector_load %arg11[%swap3A_51, %swap3A_52] {strides = array<i32>} : memref<128x128xf32, #tpu.memory_space<vmem>>, vector<1x16xf32>,
      %swap3A_54 = vector.shape_cast %swap3A_53 : vector<1x16xf32> to vector<16xf32>
      %swap3A_55 = vector.shape_cast %broadcast_in_dim3A_1 : vector<16xf32> to vector<1x16xf32>
      tpu.vector_store %arg11[%swap3A_51, %swap3A_52], %swap3A_55 {strides = array<i32>} : memref<128x128xf32, #tpu.memory_space<vmem>>, vector<1x16xf32>,
      %swap3A_56 = arith.index_cast %scan3A_30 : i32 to index
      %swap3A_57 = arith.constant 80 : index
      %swap3A_58 = tpu.vector_load %arg11[%swap3A_56, %swap3A_57] {strides = array<i32>} : memref<128x128xf32, #tpu.memory_space<vmem>>, vector<1x16xf32>,
      %swap3A_59 = vector.shape_cast %swap3A_58 : vector<1x16xf32> to vector<16xf32>
      %swap3A_60 = vector.shape_cast %broadcast_in_dim3A_1 : vector<16xf32> to vector<1x16xf32>
      tpu.vector_store %arg11[%swap3A_56, %swap3A_57], %swap3A_60 {strides = array<i32>} : memref<128x128xf32, #tpu.memory_space<vmem>>, vector<1x16xf32>,
      %swap3A_61 = arith.index_cast %scan3A_30 : i32 to index
      %swap3A_62 = arith.constant 96 : index
      %swap3A_63 = tpu.vector_load %arg11[%swap3A_61, %swap3A_62] {strides = array<i32>} : memref<128x128xf32, #tpu.memory_space<vmem>>, vector<1x16xf32>,
      %swap3A_64 = vector.shape_cast %swap3A_63 : vector<1x16xf32> to vector<16xf32>
      %swap3A_65 = vector.shape_cast %broadcast_in_dim3A_1 : vector<16xf32> to vector<1x16xf32>
      tpu.vector_store %arg11[%swap3A_61, %swap3A_62], %swap3A_65 {strides = array<i32>} : memref<128x128xf32, #tpu.memory_space<vmem>>, vector<1x16xf32>,
      %swap3A_66 = arith.index_cast %scan3A_30 : i32 to index
      %swap3A_67 = arith.constant 112 : index
      %swap3A_68 = tpu.vector_load %arg11[%swap3A_66, %swap3A_67] {strides = array<i32>} : memref<128x128xf32, #tpu.memory_space<vmem>>, vector<1x16xf32>,
      %swap3A_69 = vector.shape_cast %swap3A_68 : vector<1x16xf32> to vector<16xf32>
      %swap3A_70 = vector.shape_cast %broadcast_in_dim3A_1 : vector<16xf32> to vector<1x16xf32>
      tpu.vector_store %arg11[%swap3A_66, %swap3A_67], %swap3A_70 {strides = array<i32>} : memref<128x128xf32, #tpu.memory_space<vmem>>, vector<1x16xf32>,
      %scan3A_71 = arith.constant 0 : i32
      scf.yield %scan3A_71 : i32
    }
    %scan3A_7 = arith.constant 128 : i32
    %scan3A_8 = arith.constant 0 : i32
    %scan3A_9 = arith.constant 0 : i32
    %scan3A_10 = arith.constant 5 : i32
    %scan3A_11 = arith.addi %scan3A_9, %scan3A_10 : i32
    %scan3A_12 = arith.constant 1 : i32
    %scan3A_13 = scf.for %scan3A_30 = %scan3A_9 to %scan3A_11 step %scan3A_12 iter_args(%scan3A_31 = %scan3A_8) -> (i32)  : i32 {
      %mul3A_32 = arith.constant 640 : i32
      %mul3A_33 = arith.muli %arg1, %mul3A_32 : i32
      %mul3A_34 = arith.constant 128 : i32
      %mul3A_35 = arith.muli %scan3A_30, %mul3A_34 : i32
      %add3A_36 = arith.addi %mul3A_33, %mul3A_35 : i32
      "tpu.region"() ({
        %run_scoped3A = tpu.sem_alloc : memref<!tpu.dma_semaphore, #tpu.memory_space<semaphore_mem>>
        %dma_start3A = arith.constant 0 : i32
        %dma_start3A_38 = tpu.memref_slice %arg12[%add3A_36, %dma_start3A] : memref<10240x128xf32, #tpu.memory_space<vmem_shared>> -> memref<128x128xf32, #tpu.memory_space<vmem_shared>>
        %dma_start3A_39 = arith.constant 0 : i32
        %dma_start3A_40 = tpu.memref_slice %arg12[%add3A_36, %dma_start3A_39] : memref<10240x128xf32, #tpu.memory_space<vmem_shared>> -> memref<128x128xf32, #tpu.memory_space<vmem_shared>>
        tpu.enqueue_dma source(%arg11 : memref<128x128xf32, #tpu.memory_space<vmem>>) target(%dma_start3A_40 : memref<128x128xf32, #tpu.memory_space<vmem_shared>>) target_semaphore(%run_scoped3A : memref<!tpu.dma_semaphore, #tpu.memory_space<semaphore_mem>>)
        %dma_wait3A = arith.constant 0 : i32
        %dma_wait3A_41 = tpu.memref_slice %arg12[%add3A_36, %dma_wait3A] : memref<10240x128xf32, #tpu.memory_space<vmem_shared>> -> memref<128x128xf32, #tpu.memory_space<vmem_shared>>
        %dma_wait3A_42 = arith.constant 0 : i32
        %dma_wait3A_43 = tpu.memref_slice %arg12[%add3A_36, %dma_wait3A_42] : memref<10240x128xf32, #tpu.memory_space<vmem_shared>> -> memref<128x128xf32, #tpu.memory_space<vmem_shared>>
        tpu.wait_dma2 semaphore(%run_scoped3A : memref<!tpu.dma_semaphore, #tpu.memory_space<semaphore_mem>>) src(%arg11 : memref<128x128xf32, #tpu.memory_space<vmem>>) dst(%dma_wait3A_43 : memref<128x128xf32, #tpu.memory_space<vmem_shared>>)
        tpu.yield
      }) : () -> ()
      %scan3A_37 = arith.constant 0 : i32
      scf.yield %scan3A_37 : i32
    }
    %scan3A_14 = arith.constant 5 : i32
    %barrier3A = arith.constant 0 : index
    tpu.barrier barrier_id(%barrier3A)
    %scan3A_15 = arith.constant 0 : i32
    %scan3A_16 = arith.constant 0 : i32
    %scan3A_17 = arith.constant 125 : i32
    %scan3A_18 = arith.addi %scan3A_16, %scan3A_17 : i32
    %scan3A_19 = arith.constant 1 : i32
    %scan3A_20 = scf.for %scan3A_30 = %scan3A_16 to %scan3A_18 step %scan3A_19 iter_args(%scan3A_31 = %scan3A_15) -> (i32)  : i32 {
      %mul3A_32 = arith.constant 10000 : i32
      %mul3A_33 = arith.muli %add3A, %mul3A_32 : i32
      %mul3A_34 = arith.constant 80 : i32
      %mul3A_35 = arith.muli %scan3A_30, %mul3A_34 : i32
      %add3A_36 = arith.addi %mul3A_33, %mul3A_35 : i32
      "tpu.region"() ({
        %run_scoped3A = tpu.sem_alloc : memref<!tpu.dma_semaphore, #tpu.memory_space<semaphore_mem>>
        %dma_start3A_49 = tpu.memref_slice %arg4[%add3A_36] : memref<320000xi32, #tpu.memory_space<hbm>> -> memref<80xi32, #tpu.memory_space<hbm>>
        %dma_start3A_50 = tpu.memref_slice %arg4[%add3A_36] : memref<320000xi32, #tpu.memory_space<hbm>> -> memref<80xi32, #tpu.memory_space<hbm>>
        tpu.enqueue_dma source(%dma_start3A_50 : memref<80xi32, #tpu.memory_space<hbm>>) target(%arg7 : memref<80xi32, #tpu.memory_space<vmem>>) target_semaphore(%run_scoped3A : memref<!tpu.dma_semaphore, #tpu.memory_space<semaphore_mem>>)
        %dma_wait3A_51 = tpu.memref_slice %arg4[%add3A_36] : memref<320000xi32, #tpu.memory_space<hbm>> -> memref<80xi32, #tpu.memory_space<hbm>>
        %dma_wait3A_52 = tpu.memref_slice %arg4[%add3A_36] : memref<320000xi32, #tpu.memory_space<hbm>> -> memref<80xi32, #tpu.memory_space<hbm>>
        tpu.wait_dma2 semaphore(%run_scoped3A : memref<!tpu.dma_semaphore, #tpu.memory_space<semaphore_mem>>) src(%dma_wait3A_52 : memref<80xi32, #tpu.memory_space<hbm>>) dst(%arg7 : memref<80xi32, #tpu.memory_space<vmem>>)
        tpu.yield
      }) : () -> ()
      %dma_start3A = arith.constant 0 : i32
      %dma_start3A_37 = arith.constant 0 : i32
      %dma_start3A_38 = tpu.memref_slice %arg2[%dma_start3A, %dma_start3A_37] : memref<10000x128xf32, #tpu.memory_space<hbm>> -> memref<10000x128xf32, #tpu.memory_space<hbm>>
      tpu.enqueue_indirect_dma source(%dma_start3A_38 : memref<10000x128xf32, #tpu.memory_space<hbm>>) target(%arg10 : memref<80x128xf32, #tpu.memory_space<vmem>>) offsets(%arg7 : memref<80xi32, #tpu.memory_space<vmem>>) semaphore(%arg13 : memref<!tpu.dma_semaphore, #tpu.memory_space<semaphore_mem>>)
      %dma_wait3A = arith.constant 0 : i32
      %dma_wait3A_39 = arith.constant 0 : i32
      %dma_wait3A_40 = tpu.memref_slice %arg2[%dma_wait3A, %dma_wait3A_39] : memref<10000x128xf32, #tpu.memory_space<hbm>> -> memref<10000x128xf32, #tpu.memory_space<hbm>>
      tpu.wait_indirect_dma semaphore(%arg13 : memref<!tpu.dma_semaphore, #tpu.memory_space<semaphore_mem>>) src(%dma_wait3A_40 : memref<10000x128xf32, #tpu.memory_space<hbm>>) dst(%arg10 : memref<80x128xf32, #tpu.memory_space<vmem>>)
      "tpu.region"() ({
        %run_scoped3A = tpu.sem_alloc : memref<!tpu.dma_semaphore, #tpu.memory_space<semaphore_mem>>
        %dma_start3A_49 = arith.constant 0 : i32
        %dma_start3A_50 = tpu.memref_slice %arg3[%add3A_36, %dma_start3A_49] : memref<320000x128xf32, #tpu.memory_space<hbm>> -> memref<80x128xf32, #tpu.memory_space<hbm>>
        %dma_start3A_51 = arith.constant 0 : i32
        %dma_start3A_52 = tpu.memref_slice %arg3[%add3A_36, %dma_start3A_51] : memref<320000x128xf32, #tpu.memory_space<hbm>> -> memref<80x128xf32, #tpu.memory_space<hbm>>
        tpu.enqueue_dma source(%dma_start3A_52 : memref<80x128xf32, #tpu.memory_space<hbm>>) target(%arg9 : memref<80x128xf32, #tpu.memory_space<vmem>>) target_semaphore(%run_scoped3A : memref<!tpu.dma_semaphore, #tpu.memory_space<semaphore_mem>>)
        %dma_wait3A_53 = arith.constant 0 : i32
        %dma_wait3A_54 = tpu.memref_slice %arg3[%add3A_36, %dma_wait3A_53] : memref<320000x128xf32, #tpu.memory_space<hbm>> -> memref<80x128xf32, #tpu.memory_space<hbm>>
        %dma_wait3A_55 = arith.constant 0 : i32
        %dma_wait3A_56 = tpu.memref_slice %arg3[%add3A_36, %dma_wait3A_55] : memref<320000x128xf32, #tpu.memory_space<hbm>> -> memref<80x128xf32, #tpu.memory_space<hbm>>
        tpu.wait_dma2 semaphore(%run_scoped3A : memref<!tpu.dma_semaphore, #tpu.memory_space<semaphore_mem>>) src(%dma_wait3A_56 : memref<80x128xf32, #tpu.memory_space<hbm>>) dst(%arg9 : memref<80x128xf32, #tpu.memory_space<vmem>>)
        tpu.yield
      }) : () -> ()
      %scan3A_41 = arith.constant 0 : i32
      %scan3A_42 = arith.constant 0 : i32
      %scan3A_43 = arith.constant 80 : i32
      %scan3A_44 = arith.addi %scan3A_42, %scan3A_43 : i32
      %scan3A_45 = arith.constant 1 : i32
      %scan3A_46 = scf.for %scan3A_49 = %scan3A_42 to %scan3A_44 step %scan3A_45 iter_args(%scan3A_50 = %scan3A_41) -> (i32)  : i32 {
        %get3A = arith.index_cast %scan3A_49 : i32 to index
        %get3A_51 = arith.constant 0 : index
        %get3A_52 = tpu.vector_load %arg10[%get3A, %get3A_51] {strides = array<i32>} : memref<80x128xf32, #tpu.memory_space<vmem>>, vector<1x16xf32>,
        %get3A_53 = vector.shape_cast %get3A_52 : vector<1x16xf32> to vector<16xf32>
        %get3A_54 = arith.index_cast %scan3A_49 : i32 to index
        %get3A_55 = arith.constant 0 : index
        %get3A_56 = tpu.vector_load %arg9[%get3A_54, %get3A_55] {strides = array<i32>} : memref<80x128xf32, #tpu.memory_space<vmem>>, vector<1x16xf32>,
        %get3A_57 = vector.shape_cast %get3A_56 : vector<1x16xf32> to vector<16xf32>
        %mul3A_58 = arith.mulf %get3A_53, %get3A_57 : vector<16xf32>
        %swap3A = arith.index_cast %scan3A_49 : i32 to index
        %swap3A_59 = arith.constant 0 : index
        %swap3A_60 = tpu.vector_load %arg10[%swap3A, %swap3A_59] {strides = array<i32>} : memref<80x128xf32, #tpu.memory_space<vmem>>, vector<1x16xf32>,
        %swap3A_61 = vector.shape_cast %swap3A_60 : vector<1x16xf32> to vector<16xf32>
        %swap3A_62 = vector.shape_cast %mul3A_58 : vector<16xf32> to vector<1x16xf32>
        tpu.vector_store %arg10[%swap3A, %swap3A_59], %swap3A_62 {strides = array<i32>} : memref<80x128xf32, #tpu.memory_space<vmem>>, vector<1x16xf32>,
        %get3A_63 = arith.index_cast %scan3A_49 : i32 to index
        %get3A_64 = arith.constant 16 : index
        %get3A_65 = tpu.vector_load %arg10[%get3A_63, %get3A_64] {strides = array<i32>} : memref<80x128xf32, #tpu.memory_space<vmem>>, vector<1x16xf32>,
        %get3A_66 = vector.shape_cast %get3A_65 : vector<1x16xf32> to vector<16xf32>
        %get3A_67 = arith.index_cast %scan3A_49 : i32 to index
        %get3A_68 = arith.constant 16 : index
        %get3A_69 = tpu.vector_load %arg9[%get3A_67, %get3A_68] {strides = array<i32>} : memref<80x128xf32, #tpu.memory_space<vmem>>, vector<1x16xf32>,
        %get3A_70 = vector.shape_cast %get3A_69 : vector<1x16xf32> to vector<16xf32>
        %mul3A_71 = arith.mulf %get3A_66, %get3A_70 : vector<16xf32>
        %swap3A_72 = arith.index_cast %scan3A_49 : i32 to index
        %swap3A_73 = arith.constant 16 : index
        %swap3A_74 = tpu.vector_load %arg10[%swap3A_72, %swap3A_73] {strides = array<i32>} : memref<80x128xf32, #tpu.memory_space<vmem>>, vector<1x16xf32>,
        %swap3A_75 = vector.shape_cast %swap3A_74 : vector<1x16xf32> to vector<16xf32>
        %swap3A_76 = vector.shape_cast %mul3A_71 : vector<16xf32> to vector<1x16xf32>
        tpu.vector_store %arg10[%swap3A_72, %swap3A_73], %swap3A_76 {strides = array<i32>} : memref<80x128xf32, #tpu.memory_space<vmem>>, vector<1x16xf32>,
        %get3A_77 = arith.index_cast %scan3A_49 : i32 to index
        %get3A_78 = arith.constant 32 : index
        %get3A_79 = tpu.vector_load %arg10[%get3A_77, %get3A_78] {strides = array<i32>} : memref<80x128xf32, #tpu.memory_space<vmem>>, vector<1x16xf32>,
        %get3A_80 = vector.shape_cast %get3A_79 : vector<1x16xf32> to vector<16xf32>
        %get3A_81 = arith.index_cast %scan3A_49 : i32 to index
        %get3A_82 = arith.constant 32 : index
        %get3A_83 = tpu.vector_load %arg9[%get3A_81, %get3A_82] {strides = array<i32>} : memref<80x128xf32, #tpu.memory_space<vmem>>, vector<1x16xf32>,
        %get3A_84 = vector.shape_cast %get3A_83 : vector<1x16xf32> to vector<16xf32>
        %mul3A_85 = arith.mulf %get3A_80, %get3A_84 : vector<16xf32>
        %swap3A_86 = arith.index_cast %scan3A_49 : i32 to index
        %swap3A_87 = arith.constant 32 : index
        %swap3A_88 = tpu.vector_load %arg10[%swap3A_86, %swap3A_87] {strides = array<i32>} : memref<80x128xf32, #tpu.memory_space<vmem>>, vector<1x16xf32>,
        %swap3A_89 = vector.shape_cast %swap3A_88 : vector<1x16xf32> to vector<16xf32>
        %swap3A_90 = vector.shape_cast %mul3A_85 : vector<16xf32> to vector<1x16xf32>
        tpu.vector_store %arg10[%swap3A_86, %swap3A_87], %swap3A_90 {strides = array<i32>} : memref<80x128xf32, #tpu.memory_space<vmem>>, vector<1x16xf32>,
        %get3A_91 = arith.index_cast %scan3A_49 : i32 to index
        %get3A_92 = arith.constant 48 : index
        %get3A_93 = tpu.vector_load %arg10[%get3A_91, %get3A_92] {strides = array<i32>} : memref<80x128xf32, #tpu.memory_space<vmem>>, vector<1x16xf32>,
        %get3A_94 = vector.shape_cast %get3A_93 : vector<1x16xf32> to vector<16xf32>
        %get3A_95 = arith.index_cast %scan3A_49 : i32 to index
        %get3A_96 = arith.constant 48 : index
        %get3A_97 = tpu.vector_load %arg9[%get3A_95, %get3A_96] {strides = array<i32>} : memref<80x128xf32, #tpu.memory_space<vmem>>, vector<1x16xf32>,
        %get3A_98 = vector.shape_cast %get3A_97 : vector<1x16xf32> to vector<16xf32>
        %mul3A_99 = arith.mulf %get3A_94, %get3A_98 : vector<16xf32>
        %swap3A_100 = arith.index_cast %scan3A_49 : i32 to index
        %swap3A_101 = arith.constant 48 : index
        %swap3A_102 = tpu.vector_load %arg10[%swap3A_100, %swap3A_101] {strides = array<i32>} : memref<80x128xf32, #tpu.memory_space<vmem>>, vector<1x16xf32>,
        %swap3A_103 = vector.shape_cast %swap3A_102 : vector<1x16xf32> to vector<16xf32>
        %swap3A_104 = vector.shape_cast %mul3A_99 : vector<16xf32> to vector<1x16xf32>
        tpu.vector_store %arg10[%swap3A_100, %swap3A_101], %swap3A_104 {strides = array<i32>} : memref<80x128xf32, #tpu.memory_space<vmem>>, vector<1x16xf32>,
        %get3A_105 = arith.index_cast %scan3A_49 : i32 to index
        %get3A_106 = arith.constant 64 : index
        %get3A_107 = tpu.vector_load %arg10[%get3A_105, %get3A_106] {strides = array<i32>} : memref<80x128xf32, #tpu.memory_space<vmem>>, vector<1x16xf32>,
        %get3A_108 = vector.shape_cast %get3A_107 : vector<1x16xf32> to vector<16xf32>
        %get3A_109 = arith.index_cast %scan3A_49 : i32 to index
        %get3A_110 = arith.constant 64 : index
        %get3A_111 = tpu.vector_load %arg9[%get3A_109, %get3A_110] {strides = array<i32>} : memref<80x128xf32, #tpu.memory_space<vmem>>, vector<1x16xf32>,
        %get3A_112 = vector.shape_cast %get3A_111 : vector<1x16xf32> to vector<16xf32>
        %mul3A_113 = arith.mulf %get3A_108, %get3A_112 : vector<16xf32>
        %swap3A_114 = arith.index_cast %scan3A_49 : i32 to index
        %swap3A_115 = arith.constant 64 : index
        %swap3A_116 = tpu.vector_load %arg10[%swap3A_114, %swap3A_115] {strides = array<i32>} : memref<80x128xf32, #tpu.memory_space<vmem>>, vector<1x16xf32>,
        %swap3A_117 = vector.shape_cast %swap3A_116 : vector<1x16xf32> to vector<16xf32>
        %swap3A_118 = vector.shape_cast %mul3A_113 : vector<16xf32> to vector<1x16xf32>
        tpu.vector_store %arg10[%swap3A_114, %swap3A_115], %swap3A_118 {strides = array<i32>} : memref<80x128xf32, #tpu.memory_space<vmem>>, vector<1x16xf32>,
        %get3A_119 = arith.index_cast %scan3A_49 : i32 to index
        %get3A_120 = arith.constant 80 : index
        %get3A_121 = tpu.vector_load %arg10[%get3A_119, %get3A_120] {strides = array<i32>} : memref<80x128xf32, #tpu.memory_space<vmem>>, vector<1x16xf32>,
        %get3A_122 = vector.shape_cast %get3A_121 : vector<1x16xf32> to vector<16xf32>
        %get3A_123 = arith.index_cast %scan3A_49 : i32 to index
        %get3A_124 = arith.constant 80 : index
        %get3A_125 = tpu.vector_load %arg9[%get3A_123, %get3A_124] {strides = array<i32>} : memref<80x128xf32, #tpu.memory_space<vmem>>, vector<1x16xf32>,
        %get3A_126 = vector.shape_cast %get3A_125 : vector<1x16xf32> to vector<16xf32>
        %mul3A_127 = arith.mulf %get3A_122, %get3A_126 : vector<16xf32>
        %swap3A_128 = arith.index_cast %scan3A_49 : i32 to index
        %swap3A_129 = arith.constant 80 : index
        %swap3A_130 = tpu.vector_load %arg10[%swap3A_128, %swap3A_129] {strides = array<i32>} : memref<80x128xf32, #tpu.memory_space<vmem>>, vector<1x16xf32>,
        %swap3A_131 = vector.shape_cast %swap3A_130 : vector<1x16xf32> to vector<16xf32>
        %swap3A_132 = vector.shape_cast %mul3A_127 : vector<16xf32> to vector<1x16xf32>
        tpu.vector_store %arg10[%swap3A_128, %swap3A_129], %swap3A_132 {strides = array<i32>} : memref<80x128xf32, #tpu.memory_space<vmem>>, vector<1x16xf32>,
        %get3A_133 = arith.index_cast %scan3A_49 : i32 to index
        %get3A_134 = arith.constant 96 : index
        %get3A_135 = tpu.vector_load %arg10[%get3A_133, %get3A_134] {strides = array<i32>} : memref<80x128xf32, #tpu.memory_space<vmem>>, vector<1x16xf32>,
        %get3A_136 = vector.shape_cast %get3A_135 : vector<1x16xf32> to vector<16xf32>
        %get3A_137 = arith.index_cast %scan3A_49 : i32 to index
        %get3A_138 = arith.constant 96 : index
        %get3A_139 = tpu.vector_load %arg9[%get3A_137, %get3A_138] {strides = array<i32>} : memref<80x128xf32, #tpu.memory_space<vmem>>, vector<1x16xf32>,
        %get3A_140 = vector.shape_cast %get3A_139 : vector<1x16xf32> to vector<16xf32>
        %mul3A_141 = arith.mulf %get3A_136, %get3A_140 : vector<16xf32>
        %swap3A_142 = arith.index_cast %scan3A_49 : i32 to index
        %swap3A_143 = arith.constant 96 : index
        %swap3A_144 = tpu.vector_load %arg10[%swap3A_142, %swap3A_143] {strides = array<i32>} : memref<80x128xf32, #tpu.memory_space<vmem>>, vector<1x16xf32>,
        %swap3A_145 = vector.shape_cast %swap3A_144 : vector<1x16xf32> to vector<16xf32>
        %swap3A_146 = vector.shape_cast %mul3A_141 : vector<16xf32> to vector<1x16xf32>
        tpu.vector_store %arg10[%swap3A_142, %swap3A_143], %swap3A_146 {strides = array<i32>} : memref<80x128xf32, #tpu.memory_space<vmem>>, vector<1x16xf32>,
        %get3A_147 = arith.index_cast %scan3A_49 : i32 to index
        %get3A_148 = arith.constant 112 : index
        %get3A_149 = tpu.vector_load %arg10[%get3A_147, %get3A_148] {strides = array<i32>} : memref<80x128xf32, #tpu.memory_space<vmem>>, vector<1x16xf32>,
        %get3A_150 = vector.shape_cast %get3A_149 : vector<1x16xf32> to vector<16xf32>
        %get3A_151 = arith.index_cast %scan3A_49 : i32 to index
        %get3A_152 = arith.constant 112 : index
        %get3A_153 = tpu.vector_load %arg9[%get3A_151, %get3A_152] {strides = array<i32>} : memref<80x128xf32, #tpu.memory_space<vmem>>, vector<1x16xf32>,
        %get3A_154 = vector.shape_cast %get3A_153 : vector<1x16xf32> to vector<16xf32>
        %mul3A_155 = arith.mulf %get3A_150, %get3A_154 : vector<16xf32>
        %swap3A_156 = arith.index_cast %scan3A_49 : i32 to index
        %swap3A_157 = arith.constant 112 : index
        %swap3A_158 = tpu.vector_load %arg10[%swap3A_156, %swap3A_157] {strides = array<i32>} : memref<80x128xf32, #tpu.memory_space<vmem>>, vector<1x16xf32>,
        %swap3A_159 = vector.shape_cast %swap3A_158 : vector<1x16xf32> to vector<16xf32>
        %swap3A_160 = vector.shape_cast %mul3A_155 : vector<16xf32> to vector<1x16xf32>
        tpu.vector_store %arg10[%swap3A_156, %swap3A_157], %swap3A_160 {strides = array<i32>} : memref<80x128xf32, #tpu.memory_space<vmem>>, vector<1x16xf32>,
        %scan3A_161 = arith.constant 0 : i32
        scf.yield %scan3A_161 : i32
      }
      %scan3A_47 = arith.constant 80 : i32
      "tpu.region"() ({
        %run_scoped3A = tpu.sem_alloc : memref<!tpu.dma_semaphore, #tpu.memory_space<semaphore_mem>>
        %dma_start3A_49 = tpu.memref_slice %arg5[%add3A_36] : memref<320000xi32, #tpu.memory_space<hbm>> -> memref<80xi32, #tpu.memory_space<hbm>>
        %dma_start3A_50 = tpu.memref_slice %arg5[%add3A_36] : memref<320000xi32, #tpu.memory_space<hbm>> -> memref<80xi32, #tpu.memory_space<hbm>>
        tpu.enqueue_dma source(%dma_start3A_50 : memref<80xi32, #tpu.memory_space<hbm>>) target(%arg8 : memref<80xi32, #tpu.memory_space<vmem>>) target_semaphore(%run_scoped3A : memref<!tpu.dma_semaphore, #tpu.memory_space<semaphore_mem>>)
        %dma_wait3A_51 = tpu.memref_slice %arg5[%add3A_36] : memref<320000xi32, #tpu.memory_space<hbm>> -> memref<80xi32, #tpu.memory_space<hbm>>
        %dma_wait3A_52 = tpu.memref_slice %arg5[%add3A_36] : memref<320000xi32, #tpu.memory_space<hbm>> -> memref<80xi32, #tpu.memory_space<hbm>>
        tpu.wait_dma2 semaphore(%run_scoped3A : memref<!tpu.dma_semaphore, #tpu.memory_space<semaphore_mem>>) src(%dma_wait3A_52 : memref<80xi32, #tpu.memory_space<hbm>>) dst(%arg8 : memref<80xi32, #tpu.memory_space<vmem>>)
        tpu.yield
      }) : () -> ()
      "tpu.region"() ({
        %run_scoped3A = tpu.sem_alloc : memref<!tpu.dma_semaphore, #tpu.memory_space<semaphore_mem>>
        %dma_start3A_49 = arith.constant 0 : i32
        %dma_start3A_50 = arith.constant 0 : i32
        %dma_start3A_51 = tpu.memref_slice %arg12[%dma_start3A_49, %dma_start3A_50] : memref<10240x128xf32, #tpu.memory_space<vmem_shared>> -> memref<10240x128xf32, #tpu.memory_space<vmem_shared>>
        tpu.enqueue_indirect_dma source(%arg10 : memref<80x128xf32, #tpu.memory_space<vmem>>) target(%dma_start3A_51 : memref<10240x128xf32, #tpu.memory_space<vmem_shared>>) offsets(%arg8 : memref<80xi32, #tpu.memory_space<vmem>>) semaphore(%run_scoped3A : memref<!tpu.dma_semaphore, #tpu.memory_space<semaphore_mem>>) {add = true}
        %dma_wait3A_52 = arith.constant 0 : i32
        %dma_wait3A_53 = arith.constant 0 : i32
        %dma_wait3A_54 = tpu.memref_slice %arg12[%dma_wait3A_52, %dma_wait3A_53] : memref<10240x128xf32, #tpu.memory_space<vmem_shared>> -> memref<10240x128xf32, #tpu.memory_space<vmem_shared>>
        tpu.wait_indirect_dma semaphore(%run_scoped3A : memref<!tpu.dma_semaphore, #tpu.memory_space<semaphore_mem>>) src(%arg10 : memref<80x128xf32, #tpu.memory_space<vmem>>) dst(%dma_wait3A_54 : memref<10240x128xf32, #tpu.memory_space<vmem_shared>>)
        tpu.yield
      }) : () -> ()
      %scan3A_48 = arith.constant 0 : i32
      scf.yield %scan3A_48 : i32
    }
    %scan3A_21 = arith.constant 125 : i32
    %barrier3A_22 = arith.constant 0 : index
    tpu.barrier barrier_id(%barrier3A_22)
    %scan3A_23 = arith.constant 0 : i32
    %scan3A_24 = arith.constant 0 : i32
    %scan3A_25 = arith.constant 5 : i32
    %scan3A_26 = arith.addi %scan3A_24, %scan3A_25 : i32
    %scan3A_27 = arith.constant 1 : i32
    %scan3A_28 = scf.for %scan3A_30 = %scan3A_24 to %scan3A_26 step %scan3A_27 iter_args(%scan3A_31 = %scan3A_23) -> (i32)  : i32 {
      %mul3A_32 = arith.constant 640 : i32
      %mul3A_33 = arith.muli %arg1, %mul3A_32 : i32
      %mul3A_34 = arith.constant 128 : i32
      %mul3A_35 = arith.muli %scan3A_30, %mul3A_34 : i32
      %add3A_36 = arith.addi %mul3A_33, %mul3A_35 : i32
      "tpu.region"() ({
        %run_scoped3A = tpu.sem_alloc : memref<!tpu.dma_semaphore, #tpu.memory_space<semaphore_mem>>
        %dma_start3A = arith.constant 0 : i32
        %dma_start3A_41 = tpu.memref_slice %arg12[%add3A_36, %dma_start3A] : memref<10240x128xf32, #tpu.memory_space<vmem_shared>> -> memref<128x128xf32, #tpu.memory_space<vmem_shared>>
        %dma_start3A_42 = arith.constant 0 : i32
        %dma_start3A_43 = tpu.memref_slice %arg12[%add3A_36, %dma_start3A_42] : memref<10240x128xf32, #tpu.memory_space<vmem_shared>> -> memref<128x128xf32, #tpu.memory_space<vmem_shared>>
        tpu.enqueue_dma source(%dma_start3A_43 : memref<128x128xf32, #tpu.memory_space<vmem_shared>>) target(%arg11 : memref<128x128xf32, #tpu.memory_space<vmem>>) target_semaphore(%run_scoped3A : memref<!tpu.dma_semaphore, #tpu.memory_space<semaphore_mem>>)
        %dma_wait3A = arith.constant 0 : i32
        %dma_wait3A_44 = tpu.memref_slice %arg12[%add3A_36, %dma_wait3A] : memref<10240x128xf32, #tpu.memory_space<vmem_shared>> -> memref<128x128xf32, #tpu.memory_space<vmem_shared>>
        %dma_wait3A_45 = arith.constant 0 : i32
        %dma_wait3A_46 = tpu.memref_slice %arg12[%add3A_36, %dma_wait3A_45] : memref<10240x128xf32, #tpu.memory_space<vmem_shared>> -> memref<128x128xf32, #tpu.memory_space<vmem_shared>>
        tpu.wait_dma2 semaphore(%run_scoped3A : memref<!tpu.dma_semaphore, #tpu.memory_space<semaphore_mem>>) src(%dma_wait3A_46 : memref<128x128xf32, #tpu.memory_space<vmem_shared>>) dst(%arg11 : memref<128x128xf32, #tpu.memory_space<vmem>>)
        tpu.yield
      }) : () -> ()
      %mul3A_37 = arith.constant 10240 : i32
      %mul3A_38 = arith.muli %arg0, %mul3A_37 : i32
      %add3A_39 = arith.addi %mul3A_38, %add3A_36 : i32
      "tpu.region"() ({
        %run_scoped3A = tpu.sem_alloc : memref<!tpu.dma_semaphore, #tpu.memory_space<semaphore_mem>>
        %dma_start3A = arith.constant 0 : i32
        %dma_start3A_41 = tpu.memref_slice %arg6[%add3A_39, %dma_start3A] : memref<20480x128xf32, #tpu.memory_space<hbm>> -> memref<128x128xf32, #tpu.memory_space<hbm>>
        %dma_start3A_42 = arith.constant 0 : i32
        %dma_start3A_43 = tpu.memref_slice %arg6[%add3A_39, %dma_start3A_42] : memref<20480x128xf32, #tpu.memory_space<hbm>> -> memref<128x128xf32, #tpu.memory_space<hbm>>
        tpu.enqueue_dma source(%arg11 : memref<128x128xf32, #tpu.memory_space<vmem>>) target(%dma_start3A_43 : memref<128x128xf32, #tpu.memory_space<hbm>>) target_semaphore(%run_scoped3A : memref<!tpu.dma_semaphore, #tpu.memory_space<semaphore_mem>>)
        %dma_wait3A = arith.constant 0 : i32
        %dma_wait3A_44 = tpu.memref_slice %arg6[%add3A_39, %dma_wait3A] : memref<20480x128xf32, #tpu.memory_space<hbm>> -> memref<128x128xf32, #tpu.memory_space<hbm>>
        %dma_wait3A_45 = arith.constant 0 : i32
        %dma_wait3A_46 = tpu.memref_slice %arg6[%add3A_39, %dma_wait3A_45] : memref<20480x128xf32, #tpu.memory_space<hbm>> -> memref<128x128xf32, #tpu.memory_space<hbm>>
        tpu.wait_dma2 semaphore(%run_scoped3A : memref<!tpu.dma_semaphore, #tpu.memory_space<semaphore_mem>>) src(%arg11 : memref<128x128xf32, #tpu.memory_space<vmem>>) dst(%dma_wait3A_46 : memref<128x128xf32, #tpu.memory_space<hbm>>)
        tpu.yield
      }) : () -> ()
      %scan3A_40 = arith.constant 0 : i32
      scf.yield %scan3A_40 : i32
    }
    %scan3A_29 = arith.constant 5 : i32
    return
  }
}

module attributes {stable_mosaic.version = 14 : i64} {
  func.func @_up_body(%arg0: memref<10000x128xf32, #tpu.memory_space<vmem>>, %arg1: memref<128x128xf32, #tpu.memory_space<vmem>>, %arg2: memref<10000x128xf32, #tpu.memory_space<vmem>>) attributes {dimension_semantics = [], scalar_prefetch = 0 : i64, scratch_operands = 0 : i64, tpu.core_type = #tpu.core_type<tc>} {
    %get3A = arith.constant 0 : index
    %get3A_0 = arith.constant 0 : index
    %get3A_1 = vector.load %arg0[%get3A, %get3A_0] : memref<10000x128xf32, #tpu.memory_space<vmem>>, vector<10000x128xf32>
    %get3A_2 = arith.constant 0 : index
    %get3A_3 = arith.constant 0 : index
    %get3A_4 = vector.load %arg1[%get3A_2, %get3A_3] : memref<128x128xf32, #tpu.memory_space<vmem>>, vector<128x128xf32>
    %dot_general3A = arith.constant dense<0.000000e+00> : vector<10000x128xf32>
    %dot_general3A_5 = tpu.matmul %get3A_1, %get3A_4, %dot_general3A {dimension_numbers = #tpu.dot_dimension_numbers<[1], [0], [0], [1], [0, 0, 1, 1], [], []>, transpose_lhs_hint = false} : vector<10000x128xf32>, vector<128x128xf32>, vector<10000x128xf32> -> vector<10000x128xf32>
    %mul3A = arith.constant 0.0883883461 : f32
    %mul3A_6 = vector.broadcast %mul3A : f32 to vector<10000x128xf32>
    %mul3A_7 = arith.mulf %dot_general3A_5, %mul3A_6 : vector<10000x128xf32>
    %swap3A = arith.constant 0 : index
    %swap3A_8 = arith.constant 0 : index
    %swap3A_9 = vector.load %arg2[%swap3A, %swap3A_8] : memref<10000x128xf32, #tpu.memory_space<vmem>>, vector<10000x128xf32>
    tpu.vector_store %arg2[%swap3A, %swap3A_8], %mul3A_7 {strides = array<i32>} : memref<10000x128xf32, #tpu.memory_space<vmem>>, vector<10000x128xf32>,
    return
  }
}

module attributes {stable_mosaic.version = 14 : i64} {
  func.func @_edge_mlp_body(%arg0: i32, %arg1: memref<2560x8xf32, #tpu.memory_space<vmem>>, %arg2: memref<2560x1xf32, #tpu.memory_space<vmem>>, %arg3: memref<8x64xf32, #tpu.memory_space<vmem>>, %arg4: memref<64x64xf32, #tpu.memory_space<vmem>>, %arg5: memref<64x64xf32, #tpu.memory_space<vmem>>, %arg6: memref<64x128xf32, #tpu.memory_space<vmem>>, %arg7: memref<2560x128xf32, #tpu.memory_space<vmem>>) attributes {dimension_semantics = [#tpu.dimension_semantics<arbitrary>], iteration_bounds = array<i64: 125>, scalar_prefetch = 0 : i64, scratch_operands = 0 : i64, tpu.core_type = #tpu.core_type<tc>, window_params = [{transform_indices = @transform_0, window_bounds = array<i64: 2560, 8>}, {transform_indices = @transform_1, window_bounds = array<i64: 2560, 1>}, {pipeline_mode = #tpu.pipeline_mode<synchronous>, transform_indices = @transform_2, window_bounds = array<i64: 8, 64>}, {pipeline_mode = #tpu.pipeline_mode<synchronous>, transform_indices = @transform_3, window_bounds = array<i64: 64, 64>}, {pipeline_mode = #tpu.pipeline_mode<synchronous>, transform_indices = @transform_4, window_bounds = array<i64: 64, 64>}, {pipeline_mode = #tpu.pipeline_mode<synchronous>, transform_indices = @transform_5, window_bounds = array<i64: 64, 128>}, {transform_indices = @transform_6, window_bounds = array<i64: 2560, 128>}]} {
    %get3A = arith.constant 0 : index
    %get3A_0 = arith.constant 0 : index
    %get3A_1 = vector.load %arg1[%get3A, %get3A_0] : memref<2560x8xf32, #tpu.memory_space<vmem>>, vector<2560x8xf32>
    %get3A_2 = arith.constant 0 : index
    %get3A_3 = arith.constant 0 : index
    %get3A_4 = vector.load %arg3[%get3A_2, %get3A_3] : memref<8x64xf32, #tpu.memory_space<vmem>>, vector<8x64xf32>
    %dot_general3A = arith.constant dense<0.000000e+00> : vector<2560x64xf32>
    %dot_general3A_5 = tpu.matmul %get3A_1, %get3A_4, %dot_general3A {dimension_numbers = #tpu.dot_dimension_numbers<[1], [0], [0], [1], [0, 0, 1, 1], [], []>, transpose_lhs_hint = false} : vector<2560x8xf32>, vector<8x64xf32>, vector<2560x64xf32> -> vector<2560x64xf32>
    %mul3A = arith.constant 0.353553385 : f32
    %mul3A_6 = vector.broadcast %mul3A : f32 to vector<2560x64xf32>
    %mul3A_7 = arith.mulf %dot_general3A_5, %mul3A_6 : vector<2560x64xf32>
    %logistic3A = arith.negf %mul3A_7 : vector<2560x64xf32>
    %logistic3A_8 = math.exp %logistic3A : vector<2560x64xf32>
    %logistic3A_9 = arith.constant 1.000000e+00 : f32
    %logistic3A_10 = vector.broadcast %logistic3A_9 : f32 to vector<2560x64xf32>
    %logistic3A_11 = arith.addf %logistic3A_10, %logistic3A_8 : vector<2560x64xf32>
    %logistic3A_12 = arith.divf %logistic3A_10, %logistic3A_11 : vector<2560x64xf32>
    %mul3A_13 = arith.mulf %mul3A_7, %logistic3A_12 : vector<2560x64xf32>
    %get3A_14 = arith.constant 0 : index
    %get3A_15 = arith.constant 0 : index
    %get3A_16 = vector.load %arg4[%get3A_14, %get3A_15] : memref<64x64xf32, #tpu.memory_space<vmem>>, vector<64x64xf32>
    %dot_general3A_17 = arith.constant dense<0.000000e+00> : vector<2560x64xf32>
    %dot_general3A_18 = tpu.matmul %mul3A_13, %get3A_16, %dot_general3A_17 {dimension_numbers = #tpu.dot_dimension_numbers<[1], [0], [0], [1], [0, 0, 1, 1], [], []>, transpose_lhs_hint = false} : vector<2560x64xf32>, vector<64x64xf32>, vector<2560x64xf32> -> vector<2560x64xf32>
    %mul3A_19 = arith.constant 1.250000e-01 : f32
    %mul3A_20 = vector.broadcast %mul3A_19 : f32 to vector<2560x64xf32>
    %mul3A_21 = arith.mulf %dot_general3A_18, %mul3A_20 : vector<2560x64xf32>
    %logistic3A_22 = arith.negf %mul3A_21 : vector<2560x64xf32>
    %logistic3A_23 = math.exp %logistic3A_22 : vector<2560x64xf32>
    %logistic3A_24 = arith.constant 1.000000e+00 : f32
    %logistic3A_25 = vector.broadcast %logistic3A_24 : f32 to vector<2560x64xf32>
    %logistic3A_26 = arith.addf %logistic3A_25, %logistic3A_23 : vector<2560x64xf32>
    %logistic3A_27 = arith.divf %logistic3A_25, %logistic3A_26 : vector<2560x64xf32>
    %mul3A_28 = arith.mulf %mul3A_21, %logistic3A_27 : vector<2560x64xf32>
    %get3A_29 = arith.constant 0 : index
    %get3A_30 = arith.constant 0 : index
    %get3A_31 = vector.load %arg5[%get3A_29, %get3A_30] : memref<64x64xf32, #tpu.memory_space<vmem>>, vector<64x64xf32>
    %dot_general3A_32 = arith.constant dense<0.000000e+00> : vector<2560x64xf32>
    %dot_general3A_33 = tpu.matmul %mul3A_28, %get3A_31, %dot_general3A_32 {dimension_numbers = #tpu.dot_dimension_numbers<[1], [0], [0], [1], [0, 0, 1, 1], [], []>, transpose_lhs_hint = false} : vector<2560x64xf32>, vector<64x64xf32>, vector<2560x64xf32> -> vector<2560x64xf32>
    %mul3A_34 = arith.constant 1.250000e-01 : f32
    %mul3A_35 = vector.broadcast %mul3A_34 : f32 to vector<2560x64xf32>
    %mul3A_36 = arith.mulf %dot_general3A_33, %mul3A_35 : vector<2560x64xf32>
    %logistic3A_37 = arith.negf %mul3A_36 : vector<2560x64xf32>
    %logistic3A_38 = math.exp %logistic3A_37 : vector<2560x64xf32>
    %logistic3A_39 = arith.constant 1.000000e+00 : f32
    %logistic3A_40 = vector.broadcast %logistic3A_39 : f32 to vector<2560x64xf32>
    %logistic3A_41 = arith.addf %logistic3A_40, %logistic3A_38 : vector<2560x64xf32>
    %logistic3A_42 = arith.divf %logistic3A_40, %logistic3A_41 : vector<2560x64xf32>
    %mul3A_43 = arith.mulf %mul3A_36, %logistic3A_42 : vector<2560x64xf32>
    %get3A_44 = arith.constant 0 : index
    %get3A_45 = arith.constant 0 : index
    %get3A_46 = vector.load %arg6[%get3A_44, %get3A_45] : memref<64x128xf32, #tpu.memory_space<vmem>>, vector<64x128xf32>
    %dot_general3A_47 = arith.constant dense<0.000000e+00> : vector<2560x128xf32>
    %dot_general3A_48 = tpu.matmul %mul3A_43, %get3A_46, %dot_general3A_47 {dimension_numbers = #tpu.dot_dimension_numbers<[1], [0], [0], [1], [0, 0, 1, 1], [], []>, transpose_lhs_hint = false} : vector<2560x64xf32>, vector<64x128xf32>, vector<2560x128xf32> -> vector<2560x128xf32>
    %mul3A_49 = arith.constant 1.250000e-01 : f32
    %mul3A_50 = vector.broadcast %mul3A_49 : f32 to vector<2560x128xf32>
    %mul3A_51 = arith.mulf %dot_general3A_48, %mul3A_50 : vector<2560x128xf32>
    %get3A_52 = arith.constant 0 : index
    %get3A_53 = arith.constant 0 : index
    %get3A_54 = vector.load %arg2[%get3A_52, %get3A_53] : memref<2560x1xf32, #tpu.memory_space<vmem>>, vector<2560x1xf32>
    %mul3A_55 = vector.broadcast %get3A_54 : vector<2560x1xf32> to vector<2560x128xf32>
    %mul3A_56 = arith.mulf %mul3A_51, %mul3A_55 : vector<2560x128xf32>
    %swap3A = arith.constant 0 : index
    %swap3A_57 = arith.constant 0 : index
    %swap3A_58 = vector.load %arg7[%swap3A, %swap3A_57] : memref<2560x128xf32, #tpu.memory_space<vmem>>, vector<2560x128xf32>
    tpu.vector_store %arg7[%swap3A, %swap3A_57], %mul3A_56 {strides = array<i32>} : memref<2560x128xf32, #tpu.memory_space<vmem>>, vector<2560x128xf32>,
    return
  }
  func.func @transform_0(%arg0: i32) -> (i32, i32) {
    %c0_i32 = arith.constant 0 : i32
    %c0_i32_0 = arith.constant 0 : i32
    return %arg0, %c0_i32 : i32, i32
  }
  func.func @transform_1(%arg0: i32) -> (i32, i32) {
    %c0_i32 = arith.constant 0 : i32
    %c0_i32_0 = arith.constant 0 : i32
    return %arg0, %c0_i32 : i32, i32
  }
  func.func @transform_2(%arg0: i32) -> (i32, i32) {
    %c0_i32 = arith.constant 0 : i32
    %c0_i32_0 = arith.constant 0 : i32
    %c0_i32_1 = arith.constant 0 : i32
    return %c0_i32, %c0_i32_0 : i32, i32
  }
  func.func @transform_3(%arg0: i32) -> (i32, i32) {
    %c0_i32 = arith.constant 0 : i32
    %c0_i32_0 = arith.constant 0 : i32
    %c0_i32_1 = arith.constant 0 : i32
    return %c0_i32, %c0_i32_0 : i32, i32
  }
  func.func @transform_4(%arg0: i32) -> (i32, i32) {
    %c0_i32 = arith.constant 0 : i32
    %c0_i32_0 = arith.constant 0 : i32
    %c0_i32_1 = arith.constant 0 : i32
    return %c0_i32, %c0_i32_0 : i32, i32
  }
  func.func @transform_5(%arg0: i32) -> (i32, i32) {
    %c0_i32 = arith.constant 0 : i32
    %c0_i32_0 = arith.constant 0 : i32
    %c0_i32_1 = arith.constant 0 : i32
    return %c0_i32, %c0_i32_0 : i32, i32
  }
  func.func @transform_6(%arg0: i32) -> (i32, i32) {
    %c0_i32 = arith.constant 0 : i32
    %c0_i32_0 = arith.constant 0 : i32
    return %arg0, %c0_i32 : i32, i32
  }
}

module attributes {stable_mosaic.version = 14 : i64} {
  func.func @_post_body(%arg0: i32, %arg1: memref<2x1000x128xf32, #tpu.memory_space<vmem>>, %arg2: memref<1000x10xf32, #tpu.memory_space<vmem>>, %arg3: memref<128x128xf32, #tpu.memory_space<vmem>>, %arg4: memref<10x128x128xf32, #tpu.memory_space<vmem>>, %arg5: memref<1000x128xf32, #tpu.memory_space<vmem>>) attributes {dimension_semantics = [#tpu.dimension_semantics<arbitrary>], iteration_bounds = array<i64: 10>, scalar_prefetch = 0 : i64, scratch_operands = 0 : i64, tpu.core_type = #tpu.core_type<tc>, window_params = [{transform_indices = @transform_0, window_bounds = array<i64: 2, 1000, 128>}, {transform_indices = @transform_1, window_bounds = array<i64: 1000, 10>}, {pipeline_mode = #tpu.pipeline_mode<synchronous>, transform_indices = @transform_2, window_bounds = array<i64: 128, 128>}, {pipeline_mode = #tpu.pipeline_mode<synchronous>, transform_indices = @transform_3, window_bounds = array<i64: 10, 128, 128>}, {transform_indices = @transform_4, window_bounds = array<i64: 1000, 128>}]} {
    %get3A = arith.constant 0 : index
    %get3A_0 = arith.constant 0 : index
    %get3A_1 = arith.constant 0 : index
    %get3A_2 = vector.load %arg1[%get3A, %get3A_0, %get3A_1] : memref<2x1000x128xf32, #tpu.memory_space<vmem>>, vector<1x1000x128xf32>
    %get3A_3 = vector.shape_cast %get3A_2 : vector<1x1000x128xf32> to vector<1000x128xf32>
    %get3A_4 = arith.constant 1 : index
    %get3A_5 = arith.constant 0 : index
    %get3A_6 = arith.constant 0 : index
    %get3A_7 = vector.load %arg1[%get3A_4, %get3A_5, %get3A_6] : memref<2x1000x128xf32, #tpu.memory_space<vmem>>, vector<1x1000x128xf32>
    %get3A_8 = vector.shape_cast %get3A_7 : vector<1x1000x128xf32> to vector<1000x128xf32>
    %add3A = arith.addf %get3A_3, %get3A_8 : vector<1000x128xf32>
    %get3A_9 = arith.constant 0 : index
    %get3A_10 = arith.constant 0 : index
    %get3A_11 = vector.load %arg3[%get3A_9, %get3A_10] : memref<128x128xf32, #tpu.memory_space<vmem>>, vector<128x128xf32>
    %dot_general3A = arith.constant dense<0.000000e+00> : vector<1000x128xf32>
    %dot_general3A_12 = tpu.matmul %add3A, %get3A_11, %dot_general3A {dimension_numbers = #tpu.dot_dimension_numbers<[1], [0], [0], [1], [0, 0, 1, 1], [], []>, transpose_lhs_hint = false} : vector<1000x128xf32>, vector<128x128xf32>, vector<1000x128xf32> -> vector<1000x128xf32>
    %mul3A = arith.constant 0.00276213582 : f32
    %mul3A_13 = vector.broadcast %mul3A : f32 to vector<1000x128xf32>
    %mul3A_14 = arith.mulf %dot_general3A_12, %mul3A_13 : vector<1000x128xf32>
    %broadcast_in_dim3A = arith.constant 0.000000e+00 : f32
    %broadcast_in_dim3A_15 = vector.broadcast %broadcast_in_dim3A : f32 to vector<1000x128xf32>
    %get3A_16 = arith.constant 0 : index
    %get3A_17 = arith.constant 0 : index
    %get3A_18 = vector.load %arg2[%get3A_16, %get3A_17] : memref<1000x10xf32, #tpu.memory_space<vmem>>, vector<1000x1xf32>
    %get3A_19 = arith.constant 0 : index
    %get3A_20 = arith.constant 0 : index
    %get3A_21 = arith.constant 0 : index
    %get3A_22 = vector.load %arg4[%get3A_19, %get3A_20, %get3A_21] : memref<10x128x128xf32, #tpu.memory_space<vmem>>, vector<1x128x128xf32>
    %get3A_23 = vector.shape_cast %get3A_22 : vector<1x128x128xf32> to vector<128x128xf32>
    %dot_general3A_24 = arith.constant dense<0.000000e+00> : vector<1000x128xf32>
    %dot_general3A_25 = tpu.matmul %mul3A_14, %get3A_23, %dot_general3A_24 {dimension_numbers = #tpu.dot_dimension_numbers<[1], [0], [0], [1], [0, 0, 1, 1], [], []>, transpose_lhs_hint = false} : vector<1000x128xf32>, vector<128x128xf32>, vector<1000x128xf32> -> vector<1000x128xf32>
    %mul3A_26 = vector.broadcast %get3A_18 : vector<1000x1xf32> to vector<1000x128xf32>
    %mul3A_27 = arith.mulf %mul3A_26, %dot_general3A_25 : vector<1000x128xf32>
    %add3A_28 = arith.addf %broadcast_in_dim3A_15, %mul3A_27 : vector<1000x128xf32>
    %get3A_29 = arith.constant 0 : index
    %get3A_30 = arith.constant 1 : index
    %get3A_31 = vector.load %arg2[%get3A_29, %get3A_30] : memref<1000x10xf32, #tpu.memory_space<vmem>>, vector<1000x1xf32>
    %get3A_32 = arith.constant 1 : index
    %get3A_33 = arith.constant 0 : index
    %get3A_34 = arith.constant 0 : index
    %get3A_35 = vector.load %arg4[%get3A_32, %get3A_33, %get3A_34] : memref<10x128x128xf32, #tpu.memory_space<vmem>>, vector<1x128x128xf32>
    %get3A_36 = vector.shape_cast %get3A_35 : vector<1x128x128xf32> to vector<128x128xf32>
    %dot_general3A_37 = arith.constant dense<0.000000e+00> : vector<1000x128xf32>
    %dot_general3A_38 = tpu.matmul %mul3A_14, %get3A_36, %dot_general3A_37 {dimension_numbers = #tpu.dot_dimension_numbers<[1], [0], [0], [1], [0, 0, 1, 1], [], []>, transpose_lhs_hint = false} : vector<1000x128xf32>, vector<128x128xf32>, vector<1000x128xf32> -> vector<1000x128xf32>
    %mul3A_39 = vector.broadcast %get3A_31 : vector<1000x1xf32> to vector<1000x128xf32>
    %mul3A_40 = arith.mulf %mul3A_39, %dot_general3A_38 : vector<1000x128xf32>
    %add3A_41 = arith.addf %add3A_28, %mul3A_40 : vector<1000x128xf32>
    %get3A_42 = arith.constant 0 : index
    %get3A_43 = arith.constant 2 : index
    %get3A_44 = vector.load %arg2[%get3A_42, %get3A_43] : memref<1000x10xf32, #tpu.memory_space<vmem>>, vector<1000x1xf32>
    %get3A_45 = arith.constant 2 : index
    %get3A_46 = arith.constant 0 : index
    %get3A_47 = arith.constant 0 : index
    %get3A_48 = vector.load %arg4[%get3A_45, %get3A_46, %get3A_47] : memref<10x128x128xf32, #tpu.memory_space<vmem>>, vector<1x128x128xf32>
    %get3A_49 = vector.shape_cast %get3A_48 : vector<1x128x128xf32> to vector<128x128xf32>
    %dot_general3A_50 = arith.constant dense<0.000000e+00> : vector<1000x128xf32>
    %dot_general3A_51 = tpu.matmul %mul3A_14, %get3A_49, %dot_general3A_50 {dimension_numbers = #tpu.dot_dimension_numbers<[1], [0], [0], [1], [0, 0, 1, 1], [], []>, transpose_lhs_hint = false} : vector<1000x128xf32>, vector<128x128xf32>, vector<1000x128xf32> -> vector<1000x128xf32>
    %mul3A_52 = vector.broadcast %get3A_44 : vector<1000x1xf32> to vector<1000x128xf32>
    %mul3A_53 = arith.mulf %mul3A_52, %dot_general3A_51 : vector<1000x128xf32>
    %add3A_54 = arith.addf %add3A_41, %mul3A_53 : vector<1000x128xf32>
    %get3A_55 = arith.constant 0 : index
    %get3A_56 = arith.constant 3 : index
    %get3A_57 = vector.load %arg2[%get3A_55, %get3A_56] : memref<1000x10xf32, #tpu.memory_space<vmem>>, vector<1000x1xf32>
    %get3A_58 = arith.constant 3 : index
    %get3A_59 = arith.constant 0 : index
    %get3A_60 = arith.constant 0 : index
    %get3A_61 = vector.load %arg4[%get3A_58, %get3A_59, %get3A_60] : memref<10x128x128xf32, #tpu.memory_space<vmem>>, vector<1x128x128xf32>
    %get3A_62 = vector.shape_cast %get3A_61 : vector<1x128x128xf32> to vector<128x128xf32>
    %dot_general3A_63 = arith.constant dense<0.000000e+00> : vector<1000x128xf32>
    %dot_general3A_64 = tpu.matmul %mul3A_14, %get3A_62, %dot_general3A_63 {dimension_numbers = #tpu.dot_dimension_numbers<[1], [0], [0], [1], [0, 0, 1, 1], [], []>, transpose_lhs_hint = false} : vector<1000x128xf32>, vector<128x128xf32>, vector<1000x128xf32> -> vector<1000x128xf32>
    %mul3A_65 = vector.broadcast %get3A_57 : vector<1000x1xf32> to vector<1000x128xf32>
    %mul3A_66 = arith.mulf %mul3A_65, %dot_general3A_64 : vector<1000x128xf32>
    %add3A_67 = arith.addf %add3A_54, %mul3A_66 : vector<1000x128xf32>
    %get3A_68 = arith.constant 0 : index
    %get3A_69 = arith.constant 4 : index
    %get3A_70 = vector.load %arg2[%get3A_68, %get3A_69] : memref<1000x10xf32, #tpu.memory_space<vmem>>, vector<1000x1xf32>
    %get3A_71 = arith.constant 4 : index
    %get3A_72 = arith.constant 0 : index
    %get3A_73 = arith.constant 0 : index
    %get3A_74 = vector.load %arg4[%get3A_71, %get3A_72, %get3A_73] : memref<10x128x128xf32, #tpu.memory_space<vmem>>, vector<1x128x128xf32>
    %get3A_75 = vector.shape_cast %get3A_74 : vector<1x128x128xf32> to vector<128x128xf32>
    %dot_general3A_76 = arith.constant dense<0.000000e+00> : vector<1000x128xf32>
    %dot_general3A_77 = tpu.matmul %mul3A_14, %get3A_75, %dot_general3A_76 {dimension_numbers = #tpu.dot_dimension_numbers<[1], [0], [0], [1], [0, 0, 1, 1], [], []>, transpose_lhs_hint = false} : vector<1000x128xf32>, vector<128x128xf32>, vector<1000x128xf32> -> vector<1000x128xf32>
    %mul3A_78 = vector.broadcast %get3A_70 : vector<1000x1xf32> to vector<1000x128xf32>
    %mul3A_79 = arith.mulf %mul3A_78, %dot_general3A_77 : vector<1000x128xf32>
    %add3A_80 = arith.addf %add3A_67, %mul3A_79 : vector<1000x128xf32>
    %get3A_81 = arith.constant 0 : index
    %get3A_82 = arith.constant 5 : index
    %get3A_83 = vector.load %arg2[%get3A_81, %get3A_82] : memref<1000x10xf32, #tpu.memory_space<vmem>>, vector<1000x1xf32>
    %get3A_84 = arith.constant 5 : index
    %get3A_85 = arith.constant 0 : index
    %get3A_86 = arith.constant 0 : index
    %get3A_87 = vector.load %arg4[%get3A_84, %get3A_85, %get3A_86] : memref<10x128x128xf32, #tpu.memory_space<vmem>>, vector<1x128x128xf32>
    %get3A_88 = vector.shape_cast %get3A_87 : vector<1x128x128xf32> to vector<128x128xf32>
    %dot_general3A_89 = arith.constant dense<0.000000e+00> : vector<1000x128xf32>
    %dot_general3A_90 = tpu.matmul %mul3A_14, %get3A_88, %dot_general3A_89 {dimension_numbers = #tpu.dot_dimension_numbers<[1], [0], [0], [1], [0, 0, 1, 1], [], []>, transpose_lhs_hint = false} : vector<1000x128xf32>, vector<128x128xf32>, vector<1000x128xf32> -> vector<1000x128xf32>
    %mul3A_91 = vector.broadcast %get3A_83 : vector<1000x1xf32> to vector<1000x128xf32>
    %mul3A_92 = arith.mulf %mul3A_91, %dot_general3A_90 : vector<1000x128xf32>
    %add3A_93 = arith.addf %add3A_80, %mul3A_92 : vector<1000x128xf32>
    %get3A_94 = arith.constant 0 : index
    %get3A_95 = arith.constant 6 : index
    %get3A_96 = vector.load %arg2[%get3A_94, %get3A_95] : memref<1000x10xf32, #tpu.memory_space<vmem>>, vector<1000x1xf32>
    %get3A_97 = arith.constant 6 : index
    %get3A_98 = arith.constant 0 : index
    %get3A_99 = arith.constant 0 : index
    %get3A_100 = vector.load %arg4[%get3A_97, %get3A_98, %get3A_99] : memref<10x128x128xf32, #tpu.memory_space<vmem>>, vector<1x128x128xf32>
    %get3A_101 = vector.shape_cast %get3A_100 : vector<1x128x128xf32> to vector<128x128xf32>
    %dot_general3A_102 = arith.constant dense<0.000000e+00> : vector<1000x128xf32>
    %dot_general3A_103 = tpu.matmul %mul3A_14, %get3A_101, %dot_general3A_102 {dimension_numbers = #tpu.dot_dimension_numbers<[1], [0], [0], [1], [0, 0, 1, 1], [], []>, transpose_lhs_hint = false} : vector<1000x128xf32>, vector<128x128xf32>, vector<1000x128xf32> -> vector<1000x128xf32>
    %mul3A_104 = vector.broadcast %get3A_96 : vector<1000x1xf32> to vector<1000x128xf32>
    %mul3A_105 = arith.mulf %mul3A_104, %dot_general3A_103 : vector<1000x128xf32>
    %add3A_106 = arith.addf %add3A_93, %mul3A_105 : vector<1000x128xf32>
    %get3A_107 = arith.constant 0 : index
    %get3A_108 = arith.constant 7 : index
    %get3A_109 = vector.load %arg2[%get3A_107, %get3A_108] : memref<1000x10xf32, #tpu.memory_space<vmem>>, vector<1000x1xf32>
    %get3A_110 = arith.constant 7 : index
    %get3A_111 = arith.constant 0 : index
    %get3A_112 = arith.constant 0 : index
    %get3A_113 = vector.load %arg4[%get3A_110, %get3A_111, %get3A_112] : memref<10x128x128xf32, #tpu.memory_space<vmem>>, vector<1x128x128xf32>
    %get3A_114 = vector.shape_cast %get3A_113 : vector<1x128x128xf32> to vector<128x128xf32>
    %dot_general3A_115 = arith.constant dense<0.000000e+00> : vector<1000x128xf32>
    %dot_general3A_116 = tpu.matmul %mul3A_14, %get3A_114, %dot_general3A_115 {dimension_numbers = #tpu.dot_dimension_numbers<[1], [0], [0], [1], [0, 0, 1, 1], [], []>, transpose_lhs_hint = false} : vector<1000x128xf32>, vector<128x128xf32>, vector<1000x128xf32> -> vector<1000x128xf32>
    %mul3A_117 = vector.broadcast %get3A_109 : vector<1000x1xf32> to vector<1000x128xf32>
    %mul3A_118 = arith.mulf %mul3A_117, %dot_general3A_116 : vector<1000x128xf32>
    %add3A_119 = arith.addf %add3A_106, %mul3A_118 : vector<1000x128xf32>
    %get3A_120 = arith.constant 0 : index
    %get3A_121 = arith.constant 8 : index
    %get3A_122 = vector.load %arg2[%get3A_120, %get3A_121] : memref<1000x10xf32, #tpu.memory_space<vmem>>, vector<1000x1xf32>
    %get3A_123 = arith.constant 8 : index
    %get3A_124 = arith.constant 0 : index
    %get3A_125 = arith.constant 0 : index
    %get3A_126 = vector.load %arg4[%get3A_123, %get3A_124, %get3A_125] : memref<10x128x128xf32, #tpu.memory_space<vmem>>, vector<1x128x128xf32>
    %get3A_127 = vector.shape_cast %get3A_126 : vector<1x128x128xf32> to vector<128x128xf32>
    %dot_general3A_128 = arith.constant dense<0.000000e+00> : vector<1000x128xf32>
    %dot_general3A_129 = tpu.matmul %mul3A_14, %get3A_127, %dot_general3A_128 {dimension_numbers = #tpu.dot_dimension_numbers<[1], [0], [0], [1], [0, 0, 1, 1], [], []>, transpose_lhs_hint = false} : vector<1000x128xf32>, vector<128x128xf32>, vector<1000x128xf32> -> vector<1000x128xf32>
    %mul3A_130 = vector.broadcast %get3A_122 : vector<1000x1xf32> to vector<1000x128xf32>
    %mul3A_131 = arith.mulf %mul3A_130, %dot_general3A_129 : vector<1000x128xf32>
    %add3A_132 = arith.addf %add3A_119, %mul3A_131 : vector<1000x128xf32>
    %get3A_133 = arith.constant 0 : index
    %get3A_134 = arith.constant 9 : index
    %get3A_135 = vector.load %arg2[%get3A_133, %get3A_134] : memref<1000x10xf32, #tpu.memory_space<vmem>>, vector<1000x1xf32>
    %get3A_136 = arith.constant 9 : index
    %get3A_137 = arith.constant 0 : index
    %get3A_138 = arith.constant 0 : index
    %get3A_139 = vector.load %arg4[%get3A_136, %get3A_137, %get3A_138] : memref<10x128x128xf32, #tpu.memory_space<vmem>>, vector<1x128x128xf32>
    %get3A_140 = vector.shape_cast %get3A_139 : vector<1x128x128xf32> to vector<128x128xf32>
    %dot_general3A_141 = arith.constant dense<0.000000e+00> : vector<1000x128xf32>
    %dot_general3A_142 = tpu.matmul %mul3A_14, %get3A_140, %dot_general3A_141 {dimension_numbers = #tpu.dot_dimension_numbers<[1], [0], [0], [1], [0, 0, 1, 1], [], []>, transpose_lhs_hint = false} : vector<1000x128xf32>, vector<128x128xf32>, vector<1000x128xf32> -> vector<1000x128xf32>
    %mul3A_143 = vector.broadcast %get3A_135 : vector<1000x1xf32> to vector<1000x128xf32>
    %mul3A_144 = arith.mulf %mul3A_143, %dot_general3A_142 : vector<1000x128xf32>
    %add3A_145 = arith.addf %add3A_132, %mul3A_144 : vector<1000x128xf32>
    %mul3A_146 = arith.constant 0.0279508494 : f32
    %mul3A_147 = vector.broadcast %mul3A_146 : f32 to vector<1000x128xf32>
    %mul3A_148 = arith.mulf %add3A_145, %mul3A_147 : vector<1000x128xf32>
    %swap3A = arith.constant 0 : index
    %swap3A_149 = arith.constant 0 : index
    %swap3A_150 = vector.load %arg5[%swap3A, %swap3A_149] : memref<1000x128xf32, #tpu.memory_space<vmem>>, vector<1000x128xf32>
    tpu.vector_store %arg5[%swap3A, %swap3A_149], %mul3A_148 {strides = array<i32>} : memref<1000x128xf32, #tpu.memory_space<vmem>>, vector<1000x128xf32>,
    return
  }
  func.func @transform_0(%arg0: i32) -> (i32, i32, i32) {
    %c0_i32 = arith.constant 0 : i32
    %c0_i32_0 = arith.constant 0 : i32
    %c0_i32_1 = arith.constant 0 : i32
    return %c0_i32, %arg0, %c0_i32_0 : i32, i32, i32
  }
  func.func @transform_1(%arg0: i32) -> (i32, i32) {
    %c0_i32 = arith.constant 0 : i32
    %c0_i32_0 = arith.constant 0 : i32
    return %arg0, %c0_i32 : i32, i32
  }
  func.func @transform_2(%arg0: i32) -> (i32, i32) {
    %c0_i32 = arith.constant 0 : i32
    %c0_i32_0 = arith.constant 0 : i32
    %c0_i32_1 = arith.constant 0 : i32
    return %c0_i32, %c0_i32_0 : i32, i32
  }
  func.func @transform_3(%arg0: i32) -> (i32, i32, i32) {
    %c0_i32 = arith.constant 0 : i32
    %c0_i32_0 = arith.constant 0 : i32
    %c0_i32_1 = arith.constant 0 : i32
    %c0_i32_2 = arith.constant 0 : i32
    return %c0_i32, %c0_i32_0, %c0_i32_1 : i32, i32, i32
  }
  func.func @transform_4(%arg0: i32) -> (i32, i32) {
    %c0_i32 = arith.constant 0 : i32
    %c0_i32_0 = arith.constant 0 : i32
    return %arg0, %c0_i32 : i32, i32
  }
}

</mosaic_0001>

<sc_bundles>
// kernel: kernel.6.cloned.1.call-start
scs
__scs_entry_jumppad:
0x0: {  	(pc) =	sbr.rel $0x88, $3  }
0x1: {  	(tag) =	ssettag $0x0;
	lr =	simm.s32 $0x1  }
0x2: {  	[smem:$0x3F95] =	sst lr;
	_ =	strace $0xD0000000  }
0x3: {  	_ = 	snop  }
0x4: {  	_ = 	snop  }
0x5: {  	_ = 	snop  }
0x6: {  	_ = 	snop  }
0x7: {  	_ = 	snop  }
__scs_overlays_trampoline_lowered:
0x8: {  	[smem:$0x3FA4] =	sst s0  }
0x9: {  	[smem:$0x3FA5] =	sst s1  }
0xa: {  	[smem:$0x3FA6] =	sst s2  }
0xb: {  	[smem:$0x3FA7] =	sst s3  }
0xc: {  	[smem:$0x3FA8] =	sst s4  }
0xd: {  	[smem:$0x3FA9] =	sst s5  }
0xe: {  	[smem:$0x3FAA] =	sst s6  }
0xf: {  	[smem:$0x3FAB] =	sst s7  }
0x10: {  	[smem:$0x3FAC] =	sst s8  }
0x11: {  	[smem:$0x3FAD] =	sst s9;
	s0 =	simm.s32 @!p0 $0x0  }
0x12: {  	s1 =	sld [smem:$0x3F93];
	s0 =	simm.s32 @p0 $0x1  }
0x13: {  	[smem:$0x3FAE] =	sst s0;
	s0 =	simm.s32 @!p1 $0x0  }
0x14: {  	s2 =	sld [smem:$0x3F92];
	s0 =	simm.s32 @p1 $0x1  }
0x15: {  	[smem:$0x3FAF] =	sst s0;
	s0 =	simm.s32 @!p2 $0x0  }
0x16: {  	s3 =	sld [smem:$0x3FDB];
	s0 =	simm.s32 @p2 $0x1  }
0x17: {  	s4 =	simm.s32 $0x1BF5;
	[smem:$0x3FB1] =	sst s0  }
0x18: {  	s0 =	sld [smem:$0x3F94];
	_ =	swait.ge [sflag:s4], $0x0  }
0x19: {  	s7 =	sld [smem:$0x3F95]  }
0x1a: {  	s8 =	sadd.s32 $0xFFFFE003, lr  }
0x1b: {  	s9 =	sadd.s32 $0xFFFFFEF7, lr;
	s5 =	simm.s32 $0xFFFFFFFF;
	p2 =	slt.u32 s8, $0xFFFFF086  }
0x1c: {  	p1 =	slt.u32 s9, $0xF7A;
	s5 =	simm.s32 @!p2 $0x0  }
0x1d: {  	s5 =	simm.s32 @p1 $0x1;
	p0 =	seq.s32 s7, s2  }
0x1e: {  	s7 =	smul.u32 @!p0 $0xF7A, s2;
	p2 =	seq.s32 @!p0 s5, $0x0  }
0x1f: {  	s9 =	smul.u32 $0xF7A, s1;
	s8 =	simm.s32 @!p0 $0x1BF5;
	p2 =	por !p2, p0  }
0x20: {  	[sflag:s8] =	ssyncset.s32 @!p0 $0xFFFFF086;
	s6 =	sadd.s32 @!p0 s3, s7;
	s7 =	simm.s32 @!p0 $0x108  }
0x21: {  	s3 =	sadd.s32 s3, s9;
	s6 =	sadd.s32 @!p0 $0x88, s6;
	s7 =	simm.s32 @p2 $0x1082  }
0x22: {  	[simem:s7], [sflag:s8] =	dma.local @!p0 [hbm:s6], $0xF7A  }
0x23: {  	s9 =	sor.u32 $0xD0000000, s2;
	s6 =	simm.s32 $0x108;
	_ =	swait.ge @!p0 [sflag:s8], $0x0  }
0x24: {  	s3 =	sadd.s32 $0x88, s3;
	s6 =	simm.s32 @!p1 $0x1082;
	[sflag:s4] =	ssyncset.s32 $0xFFFFF086  }
0x25: {  	[simem:s6], [sflag:s4] =	dma.local [hbm:s3], $0xF7A  }
0x26: {  	[smem:$0x3F95] =	sst s1;
	(tag) =	ssettag s2;
	_ =	strace s9  }
0x27: {  	s1 =	sld [smem:$0x3FA5]  }
0x28: {  	s2 =	sld [smem:$0x3FA6]  }
0x29: {  	s4 =	sld [smem:$0x3FA8]  }
0x2a: {  	p0 =	seq.s32 s5, $0x0;
	s5 =	sld [smem:$0x3FA9]  }
0x2b: {  	s6 =	sld [smem:$0x3FAA]  }
0x2c: {  	s7 =	sld [smem:$0x3FAB]  }
0x2d: {  	s3 =	simm.s32 $0x108;
	s8 =	sld [smem:$0x3FAC]  }
0x2e: {  	s3 =	simm.s32 @!p0 $0x1082;
	s9 =	sld [smem:$0x3FAD]  }
0x2f: {  	lr =	sadd.s32 s0, s3;
	s0 =	sld [smem:$0x3FA4]  }
0x30: {  	s3 =	sld [smem:$0x3FA7]  }
0x31: {  	[smem:$0x3FB0] =	sst s10  }
0x32: {  	s10 =	sld [smem:$0x3FAE];
	_ =	sdelay $0x3  }
0x33: {  	p0 =	seq.s32 s10, $0x1;
	s10 =	sld [smem:$0x3FB0];
	_ =	sdelay $0x3  }
0x34: {  	[smem:$0x3FB0] =	sst s10  }
0x35: {  	s10 =	sld [smem:$0x3FAF];
	_ =	sdelay $0x3  }
0x36: {  	p1 =	seq.s32 s10, $0x1;
	s10 =	sld [smem:$0x3FB0];
	_ =	sdelay $0x3  }
0x37: {  	[smem:$0x3FB0] =	sst s10  }
0x38: {  	s10 =	sld [smem:$0x3FB1]  }
0x39: {  	_ = 	snop;
	(pc) =	sbr.ind lr, $3  }
0x3a: {  	_ = 	snop  }
0x3b: {  	_ = 	snop  }
0x3c: {  	p2 =	seq.s32 s10, $0x1;
	s10 =	sld [smem:$0x3FB0]  }
0x3d: {  	_ =	shalt  }
0x3e: {  	_ =	shalt  }
0x3f: {  	_ =	shalt  }
0x40: {  	_ =	shalt  }
0x41: {  	_ =	shalt  }
0x42: {  	_ =	shalt  }
0x43: {  	_ =	shalt  }
0x44: {  	_ =	shalt  }
0x45: {  	_ =	shalt  }
0x46: {  	_ =	shalt  }
0x47: {  	_ =	shalt  }
0x48: {  	_ =	shalt  }
0x49: {  	_ =	shalt  }
0x4a: {  	_ =	shalt  }
0x4b: {  	_ =	shalt  }
0x4c: {  	_ =	shalt  }
0x4d: {  	_ =	shalt  }
0x4e: {  	_ =	shalt  }
0x4f: {  	_ =	shalt  }
0x50: {  	_ =	shalt  }
0x51: {  	_ =	shalt  }
0x52: {  	_ =	shalt  }
0x53: {  	_ =	shalt  }
0x54: {  	_ =	shalt  }
0x55: {  	_ =	shalt  }
0x56: {  	_ =	shalt  }
0x57: {  	_ =	shalt  }
0x58: {  	_ =	shalt  }
0x59: {  	_ =	shalt  }
0x5a: {  	_ =	shalt  }
0x5b: {  	_ =	shalt  }
0x5c: {  	_ =	shalt  }
0x5d: {  	_ =	shalt  }
0x5e: {  	_ =	shalt  }
0x5f: {  	_ =	shalt  }
0x60: {  	_ =	shalt  }
0x61: {  	_ =	shalt  }
0x62: {  	_ =	shalt  }
0x63: {  	_ =	shalt  }
0x64: {  	_ =	shalt  }
0x65: {  	_ =	shalt  }
0x66: {  	_ =	shalt  }
0x67: {  	_ =	shalt  }
0x68: {  	_ =	shalt  }
0x69: {  	_ =	shalt  }
0x6a: {  	_ =	shalt  }
0x6b: {  	_ =	shalt  }
0x6c: {  	_ =	shalt  }
0x6d: {  	_ =	shalt  }
0x6e: {  	_ =	shalt  }
0x6f: {  	_ =	shalt  }
0x70: {  	_ =	shalt  }
0x71: {  	_ =	shalt  }
0x72: {  	_ =	shalt  }
0x73: {  	_ =	shalt  }
0x74: {  	_ =	shalt  }
0x75: {  	_ =	shalt  }
0x76: {  	_ =	shalt  }
0x77: {  	_ =	shalt  }
0x78: {  	_ =	shalt  }
0x79: {  	_ =	shalt  }
0x7a: {  	_ =	shalt  }
0x7b: {  	_ =	shalt  }
0x7c: {  	_ =	shalt  }
0x7d: {  	_ =	shalt  }
0x7e: {  	_ =	shalt  }
0x7f: {  	_ =	shalt  }
0x80: {  	_ =	shalt  }
0x81: {  	_ =	shalt  }
0x82: {  	_ =	shalt  }
0x83: {  	_ =	shalt  }
0x84: {  	_ =	shalt  }
0x85: {  	_ =	shalt  }
0x86: {  	_ =	shalt  }
0x87: {  	_ =	shalt  }
.Lfunc_end0:
.L_simem_size_0:
called_computation_lowered:
.L_overlay_start_0:
0x88: {  	s2 =	sld [smem:$0x3FD9]  }
0x89: {  	s3 =	sld [smem:$0x3FFE];
	_ =	sdelay $0x1  }
0x8a: {  	s1 =	srdreg.scid  }
0x8b: {  	s0 =	sand.u32 $0x1, s1  }
0x8c: {  	s17 =	sshll.u32 s0, $0xA;
	s2 =	sadd.s32 s3, s2  }
0x8d: {  	s2 =	sadd.s32 s2, s17  }
0x8e: {  	[smem:$0x3FBC] =	sst s2  }
0x8f: {  	_ = 	snop  }
0x90: {  	s2 =	sld [smem:$0x3FD0];
	(tm) =	ssettm $0x1  }
0x91: {  	s18 =	sld [smem:$0x3FFB];
	_ =	sdelay $0x3  }
0x92: {  	_ =	strace s18  }
0x93: {  	s3 =	sld [smem:$0x3FFC];
	_ =	sdelay $0x3  }
0x94: {  	_ =	strace s3  }
0x95: {  	s3 =	sld [smem:$0x3FFD];
	_ =	sdelay $0x3  }
0x96: {  	_ =	strace s3  }
0x97: {  	_ =	strace $0x8FFFFFFF  }
0x98: {  	s19 =	sld [smem:$0x3FDB];
	_ =	sdelay $0x1  }
0x99: {  	s4 =	simm.s32 $_scs_section_size  }
0x9a: {  	s5 =	simm.s32 $_size__tile_overlayer_lowered;
	s6 =	simm.s32 $_tile_overlayer_lowered  }
0x9b: {  	s22 =	simm.s32 $0x1BFF;
	s21 =	sshll.u32 s6, $0x1;
	s3 =	sadd.s32 s4, s19  }
0x9c: {  	s7 =	simm.s32 $0x0;
	s20 =	sshll.u32 s5, $0x1;
	s5 =	sadd.s32 s21, s3  }
0x9d: {  	[timem:s7], [sflag:s22] =	dma.local [hbm:s5], s20  }
0x9e: {  	_ =	swait.ge [sflag:s22], s20  }
0x9f: {  	s4 =	ssub.s32 $0x0, s20;
	[sflag:s22] =	ssyncset.done $0x0  }
0xa0: {  	[sflag:s22] =	ssyncadd.s32 s4;
	_ =	sdelay $0x1  }
0xa1: {  	s23 =	simm.s32 $0x1B8B  }
0xa2: {  	_ =	swait.ge [sflag:s23], $0x1  }
0xa3: {  	[sflag:s23] =	ssyncset.done $0x0  }
0xa4: {  	s25 =	simm.s32 $0x1B8E;
	s24 =	sld [smem:$0x3FFE];
	[sflag:s23] =	ssyncadd.s32 $0xFFFFFFFF  }
0xa5: {  	s26 =	simm.s32 $execute0_lowered;
	[smem:$0x3FD2] =	sst s25  }
0xa6: {  	s5 =	sshll.u32 s26, $0x1;
	_ =	strace $0x80000046;
	[dreg:$0x1] =	wrdreg $0xFFFFFFFF  }
0xa7: {  	s28 =	simm.s32 $_size_execute0_lowered;
	s3 =	sadd.s32 s3, s5;
	[dreg:$0x0] =	wrdreg $0x0  }
0xa8: {  	s5 =	sshll.u32 s28, $0x1;
	[dreg:$0x2] =	wrdreg s3  }
0xa9: {  	[dreg:$0x3] =	wrdreg s5  }
0xaa: {  	[dreg:$0x4] =	wrdreg $0xC0  }
0xab: {  	_ =	task [dreg:s7], $0x5FFFF  }
0xac: {  	[dreg:$0x1] =	wrdreg $0xFFFFFFFF  }
0xad: {  	[dreg:$0x0] =	wrdreg $0x60  }
0xae: {  	[dreg:$0x2] =	wrdreg s2  }
0xaf: {  	[dreg:$0x3] =	wrdreg s24  }
0xb0: {  	[dreg:$0x4] =	wrdreg $0x91000  }
0xb1: {  	[dreg:$0x5] =	wrdreg $0x9  }
0xb2: {  	_ =	task.clear_ibuf [dreg:s7], $0x6FFFF;
	_ =	strace $0x90000046  }
0xb3: {  	s29 =	simm.s32 $0x9;
	_ =	strace $0x80000048  }
0xb4: {  	_ =	swait.ge [sflag:s29], $0x1  }
0xb5: {  	[sflag:s29] =	ssyncadd.s32 $0xFFFFFFFF  }
0xb6: {  	_ =	strace $0x90000048  }
0xb7: {  	_ =	sfence  }
0xb8: {  	s30 =	sld [smem:$0x0];
	_ =	sdelay $0x2  }
0xb9: {  	s31 =	sshll.u32 s1, $0xD;
	s1 =	sshrl.u32 s1, $0x2  }
0xba: {  	s3 =	sand.u32 $0x4000, s31;
	s1 =	sadd.s32 s1, s30  }
0xbb: {  	s0 =	sor.u32 s3, s0;
	s1 =	sshll.u32 s1, $0x11  }
0xbc: {  	s0 =	sor.u32 s1, s0  }
0xbd: {  	s0 =	sadd.s32 $0x8F2B, s0  }
0xbe: {  	[sflag:s0] =	ssyncadd.remote.s32 $0x1  }
0xbf: {  	_ =	sfence.sel $0xFFFF  }
0xc0: {  	[dreg:$0x0] =	wrdreg $0xFFFFFFFF;
	(pc) =	sbr.abs _section_cstart, $3  }
0xc1: {  	[dreg:$0x1] =	wrdreg $0xFFFFFFFF  }
0xc2: {  	_ =	task.clear_ibuf [dreg:s7], $0x2FFFF;
	_ =	strace $0x9FFFFFFF  }
0xc3: {  	(tm) =	ssettm $0x7FFFFFFF  }
tec
execute0_lowered:
.L_overlay_start_1:
0x0: {  	(tag) =	ssettag $0x1  }
0x1: {  	s1 =	rddreg [dreg:$0x0]  }
0x2: {  	s0 =	rddreg [dreg:$0x1]  }
0x3: {  	s2 =	rddreg [dreg:$0x2]  }
0x4: {  	s3 =	simm.s32 $0x0;
	s4 =	srdreg.scid;
	s12 =	stileid.u32  }
0x5: {  	s28 =	simm.s32 $0x2900;
	s29 =	simm.s32 $0x1;
	s30 =	simm.s32 $0x100  }
0x6: {  	s31 =	simm.s32 $0x80;
	[smem:$0x7FF] =	sst s3;
	s5 =	sadd.s32 $0x9D9400, s0  }
0x7: {  	s6 =	sadd.s32 $0xB600, s0;
	s4 =	sand.u32 $0x1, s4;
	s7 =	sadd.s32 $0x1800, s0  }
0x8: {  	s0 =	sadd.s32 $0x15400, s0;
	s10 =	smul.u32 $0x50000, s12;
	s25 =	sshll.u32 s12, $0x1  }
0x9: {  	s12 =	smul.u32 $0x280, s12;
	_ =	strace $0x80000047;
	s8 =	ssub.s32 $0x2, s4  }
0xa: {  	s26 =	sor.u32 s4, s25;
	s4 =	smul.u32 $0x2800, s4;
	s9 =	sshrl.u32 s8, $0x1  }
0xb: {  	s10 =	sshrl.u32 s10, $0x2;
	s18 =	sadd.s32 $0x80, s12;
	s20 =	sadd.s32 $0x100, s12  }
0xc: {  	s23 =	sadd.s32 $0x180, s12;
	s11 =	ssub.s32 s8, s9;
	s8 =	sadd.s32 s10, s2  }
0xd: {  	s9 =	smul.u32 $0x2710, s26;
	s16 =	sadd.s32 s4, s12;
	s19 =	sadd.s32 s4, s18  }
0xe: {  	s21 =	sadd.s32 s4, s20;
	s22 =	sshll.u32 s20, $0x7;
	s24 =	sshll.u32 s23, $0x7  }
0xf: {  	s25 =	sadd.s32 s4, s23;
	s26 =	sadd.s32 $0x200, s12;
	s13 =	smax.u32 s11, $0x1  }
0x10: {  	s14 =	sadd.s32 $0x4000, s8;
	s15 =	sadd.s32 $0x8000, s8;
	s17 =	sadd.s32 $0xC000, s8  }
0x11: {  	s10 =	sshll.u32 s16, $0x4;
	s11 =	sshll.u32 s18, $0x7;
	[dreg:$0x4] =	wrdreg s13  }
0x12: {  	s18 =	sadd.s32 s22, s2;
	s20 =	sadd.s32 s24, s2;
	[dreg:$0x5] =	wrdreg s14  }
0x13: {  	s12 =	sshll.u32 s26, $0x7;
	s4 =	sadd.s32 s4, s26;
	[dreg:$0x6] =	wrdreg s15  }
0x14: {  	s24 =	simm.s32 $0x5100;
	s26 =	simm.s32 $0x50;
	[dreg:$0x7] =	wrdreg s17  }
0x15: {  	s13 =	sadd.s32 $0x10000, s8;
	s15 =	sadd.s32 s0, s10;
	s10 =	sshll.u32 s19, $0x4  }
0x16: {  	s16 =	sadd.s32 s11, s2;
	s22 =	sadd.s32 s12, s2;
	s4 =	sshll.u32 s4, $0x4  }
0x17: {  	[dreg:$0x8] =	wrdreg s13;
	s17 =	sadd.s32 s0, s10;
	s10 =	sshll.u32 s21, $0x4  }
0x18: {  	s23 =	sadd.s32 s0, s4;
	s19 =	sadd.s32 s0, s10;
	s10 =	sshll.u32 s25, $0x4  }
0x19: {  	v0 =	vimm.f32 $0.0e+00;
	s25 =	simm.s32 $0x2;
	s21 =	sadd.s32 s0, s10;
	s0 =	simm.s32 $0x0  }
.LBB2_1:
0x1a: {  	s4 =	simm.s32 $0x0;
	s10 =	simm.s32 $0x200  }
.LBB2_2:
0x1b: {  	p0 =	sne.s32 s10, $0xFE00;
	[tilespmem:s4+$0x5170] =	vst v0  }
0x1c: {  	[tilespmem:s4+$0x5100] =	vst v0  }
0x1d: {  	[tilespmem:s4+$0x5110] =	vst v0  }
.Ltmp0:
0x1e: {  	[tilespmem:s4+$0x5120] =	vst v0;
	(pc) =	sbr.rel @p0 .LBB2_2-.Ltmp0, $4  }
0x1f: {  	[tilespmem:s4+$0x5130] =	vst v0  }
0x20: {  	[tilespmem:s4+$0x5140] =	vst v0  }
0x21: {  	[tilespmem:s4+$0x5150] =	vst v0  }
0x22: {  	[tilespmem:s4+$0x5160] =	vst v0;
	s4 =	sshra.s32 s10, $0x2;
	s10 =	sadd.s32 $0x200, s10  }
0x23: {  	[tilespmem:s4+$0x5170] =	vst v0  }
0x24: {  	[tilespmem:s4+$0x5100] =	vst v0  }
0x25: {  	[tilespmem:s4+$0x5110] =	vst v0  }
0x26: {  	[tilespmem:s4+$0x5120] =	vst v0  }
0x27: {  	[tilespmem:s4+$0x5130] =	vst v0  }
0x28: {  	[tilespmem:s4+$0x5140] =	vst v0  }
0x29: {  	[tilespmem:s4+$0x5150] =	vst v0  }
0x2a: {  	[tilespmem:s4+$0x5160] =	vst v0  }
0x2b: {  	[spmem:s8] =	stream.linear.scatter [tilespmem:s24], [sflag:$0x2], $0x4000, $0x38;
	[tilespmem:$0x1D100] =	vst v63  }
0x2c: {  	_ =	swait.ge [sflag:s25], $0x4000  }
0x2d: {  	[sflag:s25] =	ssyncset.done $0x0  }
0x2e: {  	s11 =	rddreg [dreg:$0x5];
	[sflag:s25] =	ssyncadd.s32 $0xFFFFC000  }
0x2f: {  	[spmem:s11] =	stream.linear.scatter [tilespmem:s24], [sflag:$0x2], $0x4000, $0x38;
	[tilespmem:$0x1D100] =	vst v63  }
0x30: {  	_ =	swait.ge [sflag:s25], $0x4000  }
0x31: {  	[sflag:s25] =	ssyncset.done $0x0  }
0x32: {  	s12 =	rddreg [dreg:$0x6];
	[sflag:s25] =	ssyncadd.s32 $0xFFFFC000  }
0x33: {  	[spmem:s12] =	stream.linear.scatter [tilespmem:s24], [sflag:$0x2], $0x4000, $0x38;
	[tilespmem:$0x1D100] =	vst v63  }
0x34: {  	_ =	swait.ge [sflag:s25], $0x4000  }
0x35: {  	[sflag:s25] =	ssyncset.done $0x0  }
0x36: {  	s13 =	rddreg [dreg:$0x7];
	[sflag:s25] =	ssyncadd.s32 $0xFFFFC000  }
0x37: {  	[spmem:s13] =	stream.linear.scatter [tilespmem:s24], [sflag:$0x2], $0x4000, $0x38;
	[tilespmem:$0x1D100] =	vst v63  }
0x38: {  	_ =	swait.ge [sflag:s25], $0x4000  }
0x39: {  	[sflag:s25] =	ssyncset.done $0x0  }
0x3a: {  	s14 =	rddreg [dreg:$0x8];
	[sflag:s25] =	ssyncadd.s32 $0xFFFFC000  }
0x3b: {  	[spmem:s14] =	stream.linear.scatter [tilespmem:s24], [sflag:$0x2], $0x4000, $0x38;
	[tilespmem:$0x1D100] =	vst v63  }
0x3c: {  	_ =	swait.ge [sflag:s25], $0x4000  }
0x3d: {  	[sflag:s25] =	ssyncset.done $0x0  }
0x3e: {  	[sflag:s25] =	ssyncadd.s32 $0xFFFFC000  }
0x3f: {  	s4 =	simm.s32 $0x0;
	s10 =	simm.s32 $0x0;
	[bflag:$0x0] =	sbarrier.arrive $0xFFFF  }
.LBB2_4:
0x40: {  	s11 =	smul.u32 $0x50, s10;
	_ =	sdelay $0x1  }
0x41: {  	s12 =	sadd.s32 s9, s11  }
0x42: {  	s11 =	sshrl.u32 s12, $0x3  }
0x43: {  	s13 =	sadd.s32 s6, s11  }
0x44: {  	[tilespmem:s4], [sflag:$0x2] =	stream.linear.gather [hbm4b:s13+s4], $0x50, $0x38;
	[tilespmem:$0x1D100] =	vst v63  }
0x45: {  	_ =	swait.ge [sflag:s25], $0x50  }
0x46: {  	[sflag:s25] =	ssyncset.done $0x0  }
0x47: {  	[sflag:s25] =	ssyncadd.s32 $0xFFFFFFB0  }
0x48: {  	[tilespmem:s28], [sflag:$0x1] =	stream.indirect.gather [hbm4b:s1+s26], $0x80, s4, s26, $0xb8;
	[tilespmem:$0x1D100] =	vst v63  }
0x49: {  	_ =	swait.ge [sflag:s29], $0x2800  }
0x4a: {  	s12 =	sshll.u32 s12, $0x4;
	[sflag:s29] =	ssyncset.done $0x0  }
0x4b: {  	s12 =	sadd.s32 s5, s12;
	[sflag:s29] =	ssyncadd.s32 $0xFFFFD800  }
0x4c: {  	[tilespmem:s30], [sflag:$0x2] =	stream.linear.gather [hbm4b:s12+s4], $0x2800, $0x38;
	[tilespmem:$0x1D100] =	vst v63  }
0x4d: {  	_ =	swait.ge [sflag:s25], $0x2800  }
0x4e: {  	[sflag:s25] =	ssyncset.done $0x0  }
0x4f: {  	s12 =	simm.s32 $0x0;
	[sflag:s25] =	ssyncadd.s32 $0xFFFFD800  }
0x50: {  	v8 =	vld [tilespmem:s12+$0x100]  }
0x51: {  	v12 =	vld [tilespmem:s12+$0x110]  }
0x52: {  	v6 =	vld [tilespmem:s12+$0x120]  }
0x53: {  	v5 =	vld [tilespmem:s12+$0x130]  }
0x54: {  	v4 =	vld [tilespmem:s12+$0x140]  }
0x55: {  	v3 =	vld [tilespmem:s12+$0x150]  }
0x56: {  	v2 =	vld [tilespmem:s12+$0x160]  }
0x57: {  	v1 =	vld [tilespmem:s12+$0x170]  }
0x58: {  	v13 =	vld [tilespmem:s12+$0x2900]  }
0x59: {  	v14 =	vld [tilespmem:s12+$0x2910]  }
0x5a: {  	v11 =	vld [tilespmem:s12+$0x2920]  }
0x5b: {  	v10 =	vld [tilespmem:s12+$0x2930]  }
0x5c: {  	v9 =	vld [tilespmem:s12+$0x2940]  }
0x5d: {  	v7 =	vld [tilespmem:s12+$0x2950];
	v13 =	vmul.f32 v8, v13  }
0x5e: {  	s13 =	simm.s32 $0x200;
	v12 =	vmul.f32 v12, v14;
	v8 =	vld [tilespmem:s12+$0x2960]  }
.LBB2_5:
0x5f: {  	s14 =	sshra.s32 s13, $0x2;
	p0 =	sne.s32 s13, $0x9E00;
	[tilespmem:s12+$0x2900] =	vst v13;
	v6 =	vmul.f32 v6, v11;
	v11 =	vld [tilespmem:s12+$0x2970]  }
0x60: {  	v13 =	vld [tilespmem:s14+$0x100];
	[tilespmem:s12+$0x2910] =	vst v12;
	v5 =	vmul.f32 v5, v10  }
0x61: {  	v12 =	vld [tilespmem:s14+$0x110];
	[tilespmem:s12+$0x2920] =	vst v6;
	v4 =	vmul.f32 v4, v9  }
0x62: {  	v6 =	vld [tilespmem:s14+$0x120];
	[tilespmem:s12+$0x2930] =	vst v5;
	v3 =	vmul.f32 v3, v7  }
0x63: {  	v5 =	vld [tilespmem:s14+$0x130];
	[tilespmem:s12+$0x2940] =	vst v4;
	v2 =	vmul.f32 v2, v8  }
0x64: {  	v4 =	vld [tilespmem:s14+$0x140];
	[tilespmem:s12+$0x2950] =	vst v3;
	v1 =	vmul.f32 v1, v11  }
0x65: {  	v3 =	vld [tilespmem:s14+$0x150];
	[tilespmem:s12+$0x2960] =	vst v2  }
0x66: {  	v2 =	vld [tilespmem:s14+$0x160];
	[tilespmem:s12+$0x2970] =	vst v1;
	s12 =	smov.u32 s14  }
0x67: {  	v1 =	vld [tilespmem:s12+$0x170]  }
0x68: {  	v7 =	vld [tilespmem:s12+$0x2900]  }
0x69: {  	v8 =	vld [tilespmem:s12+$0x2910]  }
.Ltmp1:
0x6a: {  	v11 =	vld [tilespmem:s12+$0x2920];
	(pc) =	sbr.rel @p0 .LBB2_5-.Ltmp1, $4  }
0x6b: {  	v10 =	vld [tilespmem:s12+$0x2930]  }
0x6c: {  	v9 =	vld [tilespmem:s12+$0x2940]  }
0x6d: {  	v13 =	vmul.f32 v13, v7;
	v7 =	vld [tilespmem:s12+$0x2950]  }
0x6e: {  	s13 =	sadd.s32 $0x200, s13;
	v12 =	vmul.f32 v12, v8;
	v8 =	vld [tilespmem:s12+$0x2960]  }
0x6f: {  	[tilespmem:s12+$0x2900] =	vst v13;
	v6 =	vmul.f32 v6, v11;
	v63 =	vld [tilespmem:s12+$0x2970]  }
0x70: {  	[tilespmem:s12+$0x2910] =	vst v12;
	v5 =	vmul.f32 v5, v10  }
0x71: {  	[tilespmem:s12+$0x2920] =	vst v6;
	v4 =	vmul.f32 v4, v9  }
0x72: {  	[tilespmem:s12+$0x2930] =	vst v5;
	v3 =	vmul.f32 v3, v7  }
0x73: {  	[tilespmem:s12+$0x2940] =	vst v4;
	v2 =	vmul.f32 v2, v8  }
0x74: {  	[tilespmem:s12+$0x2950] =	vst v3;
	v1 =	vmul.f32 v1, v63  }
0x75: {  	[tilespmem:s12+$0x2960] =	vst v2  }
0x76: {  	s11 =	sadd.s32 s7, s11;
	[tilespmem:s12+$0x2970] =	vst v1  }
0x77: {  	[tilespmem:s31], [sflag:$0x2] =	stream.linear.gather [hbm4b:s11+s3], $0x50, $0x38;
	[tilespmem:$0x1D100] =	vst v63  }
0x78: {  	s10 =	sadd.s32 $0x1, s10;
	_ =	swait.ge [sflag:s25], $0x50  }
0x79: {  	p0 =	sne.s32 s10, $0x7D;
	[sflag:s25] =	ssyncset.done $0x0  }
.Ltmp2:
0x7a: {  	[sflag:s25] =	ssyncadd.s32 $0xFFFFFFB0;
	(pc) =	sbr.rel @p0 .LBB2_4-.Ltmp2, $4  }
0x7b: {  	[spmem:s2] =	stream.indirect.scatter.add.f32 [tilespmem:s28], [sflag:$0x2], $0x80, s31, s26, $0xb8;
	[tilespmem:$0x1D100] =	vst v63  }
0x7c: {  	_ =	swait.ge [sflag:s25], $0x2800  }
0x7d: {  	[sflag:s25] =	ssyncset.done $0x0  }
0x7e: {  	[sflag:s25] =	ssyncadd.s32 $0xFFFFD800  }
0x7f: {  	[bflag:$0x0] =	sbarrier.arrive $0xFFFF  }
0x80: {  	[tilespmem:s24], [sflag:$0x2] =	stream.linear.gather [spmem:s8], $0x4000, $0x38;
	[tilespmem:$0x1D100] =	vst v63  }
0x81: {  	_ =	swait.ge [sflag:s25], $0x4000  }
0x82: {  	[sflag:s25] =	ssyncset.done $0x0  }
0x83: {  	[sflag:s25] =	ssyncadd.s32 $0xFFFFC000  }
0x84: {  	[hbm4b:s15+s3] =	stream.linear.scatter [tilespmem:s24], [sflag:$0x2], $0x4000, $0x38;
	[tilespmem:$0x1D100] =	vst v63  }
0x85: {  	_ =	swait.ge [sflag:s25], $0x4000  }
0x86: {  	[sflag:s25] =	ssyncset.done $0x0  }
0x87: {  	[sflag:s25] =	ssyncadd.s32 $0xFFFFC000  }
0x88: {  	[tilespmem:s24], [sflag:$0x2] =	stream.linear.gather [spmem:s16], $0x4000, $0x38;
	[tilespmem:$0x1D100] =	vst v63  }
0x89: {  	_ =	swait.ge [sflag:s25], $0x4000  }
0x8a: {  	[sflag:s25] =	ssyncset.done $0x0  }
0x8b: {  	[sflag:s25] =	ssyncadd.s32 $0xFFFFC000  }
0x8c: {  	[hbm4b:s17+s3] =	stream.linear.scatter [tilespmem:s24], [sflag:$0x2], $0x4000, $0x38;
	[tilespmem:$0x1D100] =	vst v63  }
0x8d: {  	_ =	swait.ge [sflag:s25], $0x4000  }
0x8e: {  	[sflag:s25] =	ssyncset.done $0x0  }
0x8f: {  	[sflag:s25] =	ssyncadd.s32 $0xFFFFC000  }
0x90: {  	[tilespmem:s24], [sflag:$0x2] =	stream.linear.gather [spmem:s18], $0x4000, $0x38;
	[tilespmem:$0x1D100] =	vst v63  }
0x91: {  	_ =	swait.ge [sflag:s25], $0x4000  }
0x92: {  	[sflag:s25] =	ssyncset.done $0x0  }
0x93: {  	[sflag:s25] =	ssyncadd.s32 $0xFFFFC000  }
0x94: {  	[hbm4b:s19+s3] =	stream.linear.scatter [tilespmem:s24], [sflag:$0x2], $0x4000, $0x38;
	[tilespmem:$0x1D100] =	vst v63  }
0x95: {  	_ =	swait.ge [sflag:s25], $0x4000  }
0x96: {  	[sflag:s25] =	ssyncset.done $0x0  }
0x97: {  	[sflag:s25] =	ssyncadd.s32 $0xFFFFC000  }
0x98: {  	[tilespmem:s24], [sflag:$0x2] =	stream.linear.gather [spmem:s20], $0x4000, $0x38;
	[tilespmem:$0x1D100] =	vst v63  }
0x99: {  	_ =	swait.ge [sflag:s25], $0x4000  }
0x9a: {  	[sflag:s25] =	ssyncset.done $0x0  }
0x9b: {  	[sflag:s25] =	ssyncadd.s32 $0xFFFFC000  }
0x9c: {  	[hbm4b:s21+s3] =	stream.linear.scatter [tilespmem:s24], [sflag:$0x2], $0x4000, $0x38;
	[tilespmem:$0x1D100] =	vst v63  }
0x9d: {  	_ =	swait.ge [sflag:s25], $0x4000  }
0x9e: {  	[sflag:s25] =	ssyncset.done $0x0  }
0x9f: {  	[sflag:s25] =	ssyncadd.s32 $0xFFFFC000  }
0xa0: {  	[tilespmem:s24], [sflag:$0x2] =	stream.linear.gather [spmem:s22], $0x4000, $0x38;
	[tilespmem:$0x1D100] =	vst v63  }
0xa1: {  	_ =	swait.ge [sflag:s25], $0x4000  }
0xa2: {  	[sflag:s25] =	ssyncset.done $0x0  }
0xa3: {  	[sflag:s25] =	ssyncadd.s32 $0xFFFFC000  }
0xa4: {  	[hbm4b:s23+s3] =	stream.linear.scatter [tilespmem:s24], [sflag:$0x2], $0x4000, $0x38;
	[tilespmem:$0x1D100] =	vst v63  }
0xa5: {  	_ =	swait.ge [sflag:s25], $0x4000  }
0xa6: {  	s0 =	sadd.s32 $0x1, s0;
	s4 =	rddreg [dreg:$0x4]  }
0xa7: {  	p0 =	sne.s32 s0, s4  }
.Ltmp3:
0xa8: {  	_ = 	snop;
	(pc) =	sbr.rel @p0 .LBB2_1-.Ltmp3, $3  }
0xa9: {  	_ =	sdelay $0x1  }
0xaa: {  	[sflag:s25] =	ssyncset.done $0x0  }
0xab: {  	[sflag:s25] =	ssyncadd.s32 $0xFFFFC000  }
0xac: {  	_ =	sfence.sel $0x180000  }
0xad: {  	[bflag:$0x0] =	sbarrier.arrive $0xFFFF  }
0xae: {  	_ =	strace $0x90000047  }
0xaf: {  	s0 =	stileid.u32;
	[bflag:$0x2] =	sbarrier.arrive $0xFFFF  }
0xb0: {  	p0 =	sne.s32 s0, $0x0;
	s0 =	rddreg [dreg:$0x3]  }
0xb1: {  	s0 =	sadd.s32 @!p0 $0x100000, s0  }
0xb2: {  	[sflag:s0] =	ssyncadd.tile.s32 @!p0 $0x1;
	_ =	shalt  }
.Lfunc_end2:
_tile_overlayer_lowered:
.L_overlay_start_2:
0xb3: {  	(tag) =	ssettag $0x2  }
0xb4: {  	s0 =	rddreg [dreg:$0x0];
	s2 =	stileid.u32  }
0xb5: {  	s1 =	rddreg [dreg:$0x1];
	p0 =	sne.s32 s2, $0x0  }
0xb6: {  	s3 =	rddreg [dreg:$0x2];
	[bflag:$0x3] =	sbarrier.arrive $0xFFFF;
	s2 =	simm.s32 @!p0 $0x1C02  }
0xb7: {  	[timem:s3], [sflag:s2] =	dma.local @!p0 [hbm:s0], s1  }
0xb8: {  	s0 =	simm.s32 @!p0 $0x2  }
0xb9: {  	_ =	swait.ge @!p0 [sflag:s0], s1  }
0xba: {  	s1 =	ssub.s32 @!p0 $0x0, s1;
	[sflag:s0] =	ssyncset.done @!p0 $0x0  }
0xbb: {  	[sflag:s0] =	ssyncadd.s32 @!p0 s1  }
0xbc: {  	[bflag:$0x3] =	sbarrier.arrive $0xFFFF  }
0xbd: {  	_ =	shalt  }

</sc_bundles>
